<compile_context>
chip_gen: v7x
topology: tpu7x:2x2x1
jax: 0.10.2.dev20260603
libtpu: 0.0.44.dev20260713+nightly
codegen_flags: <defaults>
</compile_context>

<pallas_src>
import functools

import jax
import jax.numpy as jnp
from jax import lax
from jax.experimental import pallas as pl
from jax.experimental.pallas import tpu as pltpu
from jax.experimental.pallas import tpu_sc as plsc

VOCAB = 1000000
D = 64
H = 32
B = 4096
SEQ = 200

NC = 2
NS = 16
NW = NC * NS
RW = B // NW
CH = 100
NCHUNK = SEQ // CH
LANES = 16

TCOL = 16384
SH = TCOL.bit_length() - 1
NBLK = (VOCAB + 2 * TCOL - 1) // (2 * TCOL)


RUNROLL = 4


NTOK = RW * SEQ
CHA = 104
CHB = SEQ - CHA


def _sc_pool_body(
    tok_hbm, table_hbm, out_hbm, tok_v, idx_v, bufa_v, bufb_v, pool_v, sem0, sem1
):
    wid = lax.axis_index("s") * NC + lax.axis_index("c")
    pltpu.sync_copy(tok_hbm.at[pl.ds(wid * NTOK, NTOK)], tok_v)

    def xform(i, carry):
        t = tok_v[pl.ds(i * LANES, LANES)]
        idx_v[pl.ds(i * LANES, LANES)] = (
            ((t >> (SH + 1)) << (SH + 1))
            | ((t & (TCOL - 1)) << 1)
            | ((t >> SH) & 1)
        )
        return carry

    lax.fori_loop(0, NTOK // LANES, xform, 0)

    zero = jnp.zeros((LANES,), jnp.float32)
    sems = (sem0, sem1)

    def copies(b, slot):
        return (
            pltpu.make_async_copy(
                table_hbm.at[idx_v.at[pl.ds(b * SEQ, CHA)]],
                bufa_v.at[slot],
                sems[slot],
            ),
            pltpu.make_async_copy(
                table_hbm.at[idx_v.at[pl.ds(b * SEQ + CHA, CHB)]],
                bufb_v.at[slot],
                sems[slot],
            ),
        )

    def issue(b, slot):
        for cp in copies(b, slot):
            cp.start()

    def wait(b, slot):
        for cp in copies(b, slot):
            cp.wait()

    def reduce_row(b, slot):
        def red_both(i, accs):
            accs = list(accs)
            r = i * RUNROLL
            for u in range(RUNROLL):
                for k in range(D // LANES):
                    accs[k] = accs[k] + bufa_v[slot, r + u, pl.ds(LANES * k, LANES)]
                for k in range(D // LANES):
                    accs[k] = accs[k] + bufb_v[slot, r + u, pl.ds(LANES * k, LANES)]
            return tuple(accs)

        def red_tail(i, accs):
            accs = list(accs)
            r = CHB + i * RUNROLL
            for u in range(RUNROLL):
                for k in range(D // LANES):
                    accs[k] = accs[k] + bufa_v[slot, r + u, pl.ds(LANES * k, LANES)]
            return tuple(accs)

        accs = lax.fori_loop(0, CHB // RUNROLL, red_both, (zero,) * (D // LANES))
        accs = lax.fori_loop(0, (CHA - CHB) // RUNROLL, red_tail, accs)
        for k in range(D // LANES):
            pool_v[b, pl.ds(LANES * k, LANES)] = accs[k]

    issue(0, 0)

    def do_pair(i, carry):
        b0 = 2 * i
        b1 = 2 * i + 1
        issue(b1, 1)
        wait(b0, 0)
        reduce_row(b0, 0)

        @pl.when(i < RW // 2 - 1)
        def _():
            issue(b0 + 2, 0)

        wait(b1, 1)
        reduce_row(b1, 1)
        return carry

    lax.fori_loop(0, RW // 2, do_pair, 0)
    pltpu.sync_copy(pool_v, out_hbm.at[pl.ds(wid * RW, RW)])


@functools.partial(jax.jit, static_argnames=())
def _sc_pool(tok2, table):
    mesh = plsc.VectorSubcoreMesh(
        core_axis_name="c", subcore_axis_name="s", num_cores=NC, num_subcores=NS
    )
    return pl.kernel(
        _sc_pool_body,
        out_type=jax.ShapeDtypeStruct((B, D), jnp.float32),
        mesh=mesh,
        scratch_types=[
            pltpu.VMEM((NTOK,), jnp.int32),
            pltpu.VMEM((NTOK,), jnp.int32),
            pltpu.VMEM((2, CHA, D), jnp.float32),
            pltpu.VMEM((2, CHB, D), jnp.float32),
            pltpu.VMEM((RW, D), jnp.float32),
            pltpu.SemaphoreType.DMA,
            pltpu.SemaphoreType.DMA,
        ],
        compiler_params=pltpu.CompilerParams(use_tc_tiling_on_sc=False),
    )(tok2, table)


def _tp_body(t_ref, out_ref):
    out_ref[:, 0:D] = jnp.swapaxes(t_ref[:, 0:TCOL], 0, 1)
    out_ref[:, D : 2 * D] = jnp.swapaxes(t_ref[:, TCOL : 2 * TCOL], 0, 1)


def _tc_transpose(tableT):
    return pl.pallas_call(
        _tp_body,
        grid=(NBLK,),
        in_specs=[pl.BlockSpec((D, 2 * TCOL), lambda j: (0, j))],
        out_specs=pl.BlockSpec((TCOL, 2 * D), lambda j: (j, 0)),
        out_shape=jax.ShapeDtypeStruct((NBLK * TCOL, 2 * D), jnp.float32),
        compiler_params=pltpu.CompilerParams(
            vmem_limit_bytes=100 * 1024 * 1024
        ),
    )(tableT)


def _mlp_body(pool_ref, w1_ref, b1_ref, w2_ref, b2_ref, out_ref):
    pooled = pool_ref[...] * (1.0 / SEQ)
    h = jnp.dot(pooled, w1_ref[...], preferred_element_type=jnp.float32)
    h = jnp.maximum(h + b1_ref[...], 0.0)
    out_ref[...] = jnp.sum(h * w2_ref[...], axis=1, keepdims=True) + b2_ref[...]


@jax.jit
def _mlp(pooled, W1, b1r, W2r, b2r):
    return pl.pallas_call(
        _mlp_body,
        out_shape=jax.ShapeDtypeStruct((B, 1), jnp.float32),
    )(pooled, W1, b1r, W2r, b2r)


def kernel(tokens, table, W1, b1, W2, b2):
    tok_flat = tokens.reshape(B * SEQ).astype(jnp.int32)
    packed = _tc_transpose(table.T)
    pooled = _sc_pool(tok_flat, packed.reshape(2 * NBLK * TCOL, D))
    out = _mlp(
        pooled,
        W1,
        b1.reshape(1, H),
        W2.reshape(1, H),
        b2.reshape(1, 1),
    )
    return out[:, 0]

# --- scband reference (transcript-rebuilt; emitter-appended) ---
"""Pipeline reference for scband-reward-model-63204738727950 (READ-ONLY COPY).

The authoritative reference and input builder live on the scoring server;
editing this copy changes nothing except your own understanding.
"""

import jax, jax.numpy as jnp
import numpy as np

VOCAB = 1000000
EMBED_DIM = 64
HIDDEN_DIM = 32
BATCH = 4096
SEQ = 200


def setup_inputs(seed: int = 0) -> dict:
    key = jax.random.key(seed)
    k_tok, k_tab, k_w1, k_b1, k_w2, k_b2 = jax.random.split(key, 6)
    tokens = jax.random.randint(k_tok, (BATCH, SEQ), 0, VOCAB, dtype=jnp.int64 if jax.config.jax_enable_x64 else jnp.int32)
    table = jax.random.normal(k_tab, (VOCAB, EMBED_DIM), dtype=jnp.float32)
    # padding_idx=0 -> row 0 zeroed
    table = table.at[0].set(0.0)
    W1 = jax.random.normal(k_w1, (EMBED_DIM, HIDDEN_DIM), dtype=jnp.float32) * 0.05
    b1 = jnp.zeros((HIDDEN_DIM,), dtype=jnp.float32)
    W2 = jax.random.normal(k_w2, (HIDDEN_DIM, 1), dtype=jnp.float32) * 0.05
    b2 = jnp.zeros((1,), dtype=jnp.float32)
    return {"tokens": tokens, "table": table, "W1": W1, "b1": b1, "W2": W2, "b2": b2}


def reference(tokens, table, W1, b1, W2, b2):
    # TokenEmbedder: embedding lookup + mean over sequence dim
    emb = jnp.take(table, tokens, axis=0)          # [B, L, D]
    pooled = emb.mean(axis=1)                       # [B, D]
    # RewardModel head: Linear -> ReLU -> Linear -> squeeze
    h = jax.nn.relu(pooled @ W1 + b1)               # [B, H]
    out = (h @ W2 + b2).squeeze(-1)                 # [B]
    return out

if __name__ == "__main__":
    import jax
    _d = setup_inputs()
    print(jax.jit(kernel)(*tuple(_d.values())))

</pallas_src>

<mosaic_0001>
#map = affine_map<(d0, d1) -> (0)>
#map1 = affine_map<(d0, d1) -> (0, 0)>
module attributes {stable_mosaic.version = 14 : i64} {
  func.func @_sc_pool_body(%arg0: i32, %arg1: i32, %arg2: memref<819200xi32, #tpu.memory_space<hbm>>, %arg3: memref<1015808x64xf32, #tpu.memory_space<hbm>>, %arg4: memref<4096x64xf32, #tpu.memory_space<hbm>>, %arg5: memref<25600xi32, #tpu.memory_space<vmem>>, %arg6: memref<25600xi32, #tpu.memory_space<vmem>>, %arg7: memref<2x104x64xf32, #tpu.memory_space<vmem>>, %arg8: memref<2x96x64xf32, #tpu.memory_space<vmem>>, %arg9: memref<128x64xf32, #tpu.memory_space<vmem>>, %arg10: memref<!tpu.dma_semaphore, #tpu.memory_space<semaphore_mem>>, %arg11: memref<!tpu.dma_semaphore, #tpu.memory_space<semaphore_mem>>) attributes {dimension_semantics = [#tpu.dimension_semantics<core_parallel>, #tpu.dimension_semantics<subcore_parallel>], iteration_bounds = array<i64: 2, 16>, scalar_prefetch = 0 : i64, scratch_operands = 7 : i64, tpu.core_type = #tpu.core_type<sc_vector_subcore>, window_params = [{transform_indices = #map}, {transform_indices = #map1}, {transform_indices = #map1}]} {
    %mul3A = arith.constant 2 : i32
    %mul3A_0 = arith.muli %arg1, %mul3A : i32
    %add3A = arith.addi %mul3A_0, %arg0 : i32
    %mul3A_1 = arith.constant 25600 : i32
    %mul3A_2 = arith.muli %add3A, %mul3A_1 : i32
    "tpu.region"() ({
      %run_scoped3A = tpu.sem_alloc : memref<!tpu.dma_semaphore, #tpu.memory_space<semaphore_mem>>
      %dma_start3A_36 = tpu.memref_slice %arg2[%mul3A_2] : memref<819200xi32, #tpu.memory_space<hbm>> -> memref<25600xi32, #tpu.memory_space<hbm>>
      %dma_start3A_37 = tpu.memref_slice %arg2[%mul3A_2] : memref<819200xi32, #tpu.memory_space<hbm>> -> memref<25600xi32, #tpu.memory_space<hbm>>
      tpu.enqueue_dma source(%dma_start3A_37 : memref<25600xi32, #tpu.memory_space<hbm>>) target(%arg5 : memref<25600xi32, #tpu.memory_space<vmem>>) target_semaphore(%run_scoped3A : memref<!tpu.dma_semaphore, #tpu.memory_space<semaphore_mem>>)
      %dma_wait3A = tpu.memref_slice %arg2[%mul3A_2] : memref<819200xi32, #tpu.memory_space<hbm>> -> memref<25600xi32, #tpu.memory_space<hbm>>
      %dma_wait3A_38 = tpu.memref_slice %arg2[%mul3A_2] : memref<819200xi32, #tpu.memory_space<hbm>> -> memref<25600xi32, #tpu.memory_space<hbm>>
      tpu.wait_dma2 semaphore(%run_scoped3A : memref<!tpu.dma_semaphore, #tpu.memory_space<semaphore_mem>>) src(%dma_wait3A_38 : memref<25600xi32, #tpu.memory_space<hbm>>) dst(%arg5 : memref<25600xi32, #tpu.memory_space<vmem>>)
      tpu.yield
    }) : () -> ()
    %scan3A = arith.constant 0 : i32
    %scan3A_3 = arith.constant 0 : i32
    %scan3A_4 = arith.constant 1600 : i32
    %scan3A_5 = arith.addi %scan3A_3, %scan3A_4 : i32
    %scan3A_6 = arith.constant 1 : i32
    scf.for %scan3A_36 = %scan3A_3 to %scan3A_5 step %scan3A_6  : i32 {
      %mul3A_37 = arith.constant 16 : i32
      %mul3A_38 = arith.muli %scan3A_36, %mul3A_37 : i32
      %get3A = arith.index_cast %mul3A_38 : i32 to index
      %get3A_39 = tpu.vector_load %arg5[%get3A] {strides = array<i32>} : memref<25600xi32, #tpu.memory_space<vmem>>, vector<16xi32>,
      %get3A_40 = vector.shape_cast %get3A_39 : vector<16xi32> to vector<16xi32>
      %shift_right_arithmetic3A = arith.constant 15 : i32
      %shift_right_arithmetic3A_41 = vector.broadcast %shift_right_arithmetic3A : i32 to vector<16xi32>
      %shift_right_arithmetic3A_42 = arith.shrsi %get3A_40, %shift_right_arithmetic3A_41 : vector<16xi32>
      %shift_left3A = arith.constant 15 : i32
      %shift_left3A_43 = vector.broadcast %shift_left3A : i32 to vector<16xi32>
      %shift_left3A_44 = arith.shli %shift_right_arithmetic3A_42, %shift_left3A_43 : vector<16xi32>
      %and3A = arith.constant 16383 : i32
      %and3A_45 = vector.broadcast %and3A : i32 to vector<16xi32>
      %and3A_46 = arith.andi %get3A_40, %and3A_45 : vector<16xi32>
      %shift_left3A_47 = arith.constant 1 : i32
      %shift_left3A_48 = vector.broadcast %shift_left3A_47 : i32 to vector<16xi32>
      %shift_left3A_49 = arith.shli %and3A_46, %shift_left3A_48 : vector<16xi32>
      %or3A = arith.ori %shift_left3A_44, %shift_left3A_49 : vector<16xi32>
      %shift_right_arithmetic3A_50 = arith.constant 14 : i32
      %shift_right_arithmetic3A_51 = vector.broadcast %shift_right_arithmetic3A_50 : i32 to vector<16xi32>
      %shift_right_arithmetic3A_52 = arith.shrsi %get3A_40, %shift_right_arithmetic3A_51 : vector<16xi32>
      %and3A_53 = arith.constant 1 : i32
      %and3A_54 = vector.broadcast %and3A_53 : i32 to vector<16xi32>
      %and3A_55 = arith.andi %shift_right_arithmetic3A_52, %and3A_54 : vector<16xi32>
      %or3A_56 = arith.ori %or3A, %and3A_55 : vector<16xi32>
      %mul3A_57 = arith.constant 16 : i32
      %mul3A_58 = arith.muli %scan3A_36, %mul3A_57 : i32
      %swap3A = arith.index_cast %mul3A_58 : i32 to index
      %swap3A_59 = tpu.vector_load %arg6[%swap3A] {strides = array<i32>} : memref<25600xi32, #tpu.memory_space<vmem>>, vector<16xi32>,
      %swap3A_60 = vector.shape_cast %swap3A_59 : vector<16xi32> to vector<16xi32>
      %swap3A_61 = vector.shape_cast %or3A_56 : vector<16xi32> to vector<16xi32>
      tpu.vector_store %arg6[%swap3A], %swap3A_61 {strides = array<i32>} : memref<25600xi32, #tpu.memory_space<vmem>>, vector<16xi32>,
    }
    %scan3A_7 = arith.constant 1600 : i32
    %broadcast_in_dim3A = arith.constant 0.000000e+00 : f32
    %broadcast_in_dim3A_8 = vector.broadcast %broadcast_in_dim3A : f32 to vector<16xf32>
    %dma_start3A = arith.constant 0 : i32
    %dma_start3A_9 = arith.constant 0 : i32
    %dma_start3A_10 = arith.constant 0 : i32
    %dma_start3A_11 = tpu.memref_slice %arg7[%dma_start3A, %dma_start3A_9, %dma_start3A_10] : memref<2x104x64xf32, #tpu.memory_space<vmem>> -> memref<1x104x64xf32, #tpu.memory_space<vmem>>
    %dma_start3A_12 = tpu.memref_squeeze %dma_start3A_11 : memref<1x104x64xf32, #tpu.memory_space<vmem>> -> memref<104x64xf32, #tpu.memory_space<vmem>>
    %dma_start3A_13 = arith.constant 0 : i32
    %dma_start3A_14 = tpu.memref_slice %arg6[%dma_start3A_13] : memref<25600xi32, #tpu.memory_space<vmem>> -> memref<104xi32, #tpu.memory_space<vmem>>
    %dma_start3A_15 = arith.constant 0 : i32
    %dma_start3A_16 = arith.constant 0 : i32
    %dma_start3A_17 = tpu.memref_slice %arg3[%dma_start3A_15, %dma_start3A_16] : memref<1015808x64xf32, #tpu.memory_space<hbm>> -> memref<1015808x64xf32, #tpu.memory_space<hbm>>
    tpu.enqueue_indirect_dma source(%dma_start3A_17 : memref<1015808x64xf32, #tpu.memory_space<hbm>>) target(%dma_start3A_12 : memref<104x64xf32, #tpu.memory_space<vmem>>) offsets(%dma_start3A_14 : memref<104xi32, #tpu.memory_space<vmem>>) semaphore(%arg10 : memref<!tpu.dma_semaphore, #tpu.memory_space<semaphore_mem>>)
    %dma_start3A_18 = arith.constant 0 : i32
    %dma_start3A_19 = arith.constant 0 : i32
    %dma_start3A_20 = arith.constant 0 : i32
    %dma_start3A_21 = tpu.memref_slice %arg8[%dma_start3A_18, %dma_start3A_19, %dma_start3A_20] : memref<2x96x64xf32, #tpu.memory_space<vmem>> -> memref<1x96x64xf32, #tpu.memory_space<vmem>>
    %dma_start3A_22 = tpu.memref_squeeze %dma_start3A_21 : memref<1x96x64xf32, #tpu.memory_space<vmem>> -> memref<96x64xf32, #tpu.memory_space<vmem>>
    %dma_start3A_23 = arith.constant 104 : i32
    %dma_start3A_24 = tpu.memref_slice %arg6[%dma_start3A_23] : memref<25600xi32, #tpu.memory_space<vmem>> -> memref<96xi32, #tpu.memory_space<vmem>>
    %dma_start3A_25 = arith.constant 0 : i32
    %dma_start3A_26 = arith.constant 0 : i32
    %dma_start3A_27 = tpu.memref_slice %arg3[%dma_start3A_25, %dma_start3A_26] : memref<1015808x64xf32, #tpu.memory_space<hbm>> -> memref<1015808x64xf32, #tpu.memory_space<hbm>>
    tpu.enqueue_indirect_dma source(%dma_start3A_27 : memref<1015808x64xf32, #tpu.memory_space<hbm>>) target(%dma_start3A_22 : memref<96x64xf32, #tpu.memory_space<vmem>>) offsets(%dma_start3A_24 : memref<96xi32, #tpu.memory_space<vmem>>) semaphore(%arg10 : memref<!tpu.dma_semaphore, #tpu.memory_space<semaphore_mem>>)
    %scan3A_28 = arith.constant 0 : i32
    %scan3A_29 = arith.constant 0 : i32
    %scan3A_30 = arith.constant 64 : i32
    %scan3A_31 = arith.addi %scan3A_29, %scan3A_30 : i32
    %scan3A_32 = arith.constant 1 : i32
    scf.for %scan3A_36 = %scan3A_29 to %scan3A_31 step %scan3A_32  : i32 {
      %mul3A_37 = arith.constant 2 : i32
      %mul3A_38 = arith.muli %mul3A_37, %scan3A_36 : i32
      %mul3A_39 = arith.constant 2 : i32
      %mul3A_40 = arith.muli %mul3A_39, %scan3A_36 : i32
      %add3A_41 = arith.constant 1 : i32
      %add3A_42 = arith.addi %mul3A_40, %add3A_41 : i32
      %mul3A_43 = arith.constant 200 : i32
      %mul3A_44 = arith.muli %add3A_42, %mul3A_43 : i32
      %mul3A_45 = arith.constant 200 : i32
      %mul3A_46 = arith.muli %add3A_42, %mul3A_45 : i32
      %add3A_47 = arith.constant 104 : i32
      %add3A_48 = arith.addi %mul3A_46, %add3A_47 : i32
      %dma_start3A_49 = arith.constant 1 : i32
      %dma_start3A_50 = arith.constant 0 : i32
      %dma_start3A_51 = arith.constant 0 : i32
      %dma_start3A_52 = tpu.memref_slice %arg7[%dma_start3A_49, %dma_start3A_50, %dma_start3A_51] : memref<2x104x64xf32, #tpu.memory_space<vmem>> -> memref<1x104x64xf32, #tpu.memory_space<vmem>>
      %dma_start3A_53 = tpu.memref_squeeze %dma_start3A_52 : memref<1x104x64xf32, #tpu.memory_space<vmem>> -> memref<104x64xf32, #tpu.memory_space<vmem>>
      %dma_start3A_54 = tpu.memref_slice %arg6[%mul3A_44] : memref<25600xi32, #tpu.memory_space<vmem>> -> memref<104xi32, #tpu.memory_space<vmem>>
      %dma_start3A_55 = arith.constant 0 : i32
      %dma_start3A_56 = arith.constant 0 : i32
      %dma_start3A_57 = tpu.memref_slice %arg3[%dma_start3A_55, %dma_start3A_56] : memref<1015808x64xf32, #tpu.memory_space<hbm>> -> memref<1015808x64xf32, #tpu.memory_space<hbm>>
      tpu.enqueue_indirect_dma source(%dma_start3A_57 : memref<1015808x64xf32, #tpu.memory_space<hbm>>) target(%dma_start3A_53 : memref<104x64xf32, #tpu.memory_space<vmem>>) offsets(%dma_start3A_54 : memref<104xi32, #tpu.memory_space<vmem>>) semaphore(%arg11 : memref<!tpu.dma_semaphore, #tpu.memory_space<semaphore_mem>>)
      %dma_start3A_58 = arith.constant 1 : i32
      %dma_start3A_59 = arith.constant 0 : i32
      %dma_start3A_60 = arith.constant 0 : i32
      %dma_start3A_61 = tpu.memref_slice %arg8[%dma_start3A_58, %dma_start3A_59, %dma_start3A_60] : memref<2x96x64xf32, #tpu.memory_space<vmem>> -> memref<1x96x64xf32, #tpu.memory_space<vmem>>
      %dma_start3A_62 = tpu.memref_squeeze %dma_start3A_61 : memref<1x96x64xf32, #tpu.memory_space<vmem>> -> memref<96x64xf32, #tpu.memory_space<vmem>>
      %dma_start3A_63 = tpu.memref_slice %arg6[%add3A_48] : memref<25600xi32, #tpu.memory_space<vmem>> -> memref<96xi32, #tpu.memory_space<vmem>>
      %dma_start3A_64 = arith.constant 0 : i32
      %dma_start3A_65 = arith.constant 0 : i32
      %dma_start3A_66 = tpu.memref_slice %arg3[%dma_start3A_64, %dma_start3A_65] : memref<1015808x64xf32, #tpu.memory_space<hbm>> -> memref<1015808x64xf32, #tpu.memory_space<hbm>>
      tpu.enqueue_indirect_dma source(%dma_start3A_66 : memref<1015808x64xf32, #tpu.memory_space<hbm>>) target(%dma_start3A_62 : memref<96x64xf32, #tpu.memory_space<vmem>>) offsets(%dma_start3A_63 : memref<96xi32, #tpu.memory_space<vmem>>) semaphore(%arg11 : memref<!tpu.dma_semaphore, #tpu.memory_space<semaphore_mem>>)
      %mul3A_67 = arith.constant 200 : i32
      %mul3A_68 = arith.muli %mul3A_38, %mul3A_67 : i32
      %mul3A_69 = arith.constant 200 : i32
      %mul3A_70 = arith.muli %mul3A_38, %mul3A_69 : i32
      %add3A_71 = arith.constant 104 : i32
      %add3A_72 = arith.addi %mul3A_70, %add3A_71 : i32
      %dma_wait3A = arith.constant 0 : i32
      %dma_wait3A_73 = arith.constant 0 : i32
      %dma_wait3A_74 = arith.constant 0 : i32
      %dma_wait3A_75 = tpu.memref_slice %arg7[%dma_wait3A, %dma_wait3A_73, %dma_wait3A_74] : memref<2x104x64xf32, #tpu.memory_space<vmem>> -> memref<1x104x64xf32, #tpu.memory_space<vmem>>
      %dma_wait3A_76 = tpu.memref_squeeze %dma_wait3A_75 : memref<1x104x64xf32, #tpu.memory_space<vmem>> -> memref<104x64xf32, #tpu.memory_space<vmem>>
      %dma_wait3A_77 = tpu.memref_slice %arg6[%mul3A_68] : memref<25600xi32, #tpu.memory_space<vmem>> -> memref<104xi32, #tpu.memory_space<vmem>>
      %dma_wait3A_78 = arith.constant 0 : i32
      %dma_wait3A_79 = arith.constant 0 : i32
      %dma_wait3A_80 = tpu.memref_slice %arg3[%dma_wait3A_78, %dma_wait3A_79] : memref<1015808x64xf32, #tpu.memory_space<hbm>> -> memref<1015808x64xf32, #tpu.memory_space<hbm>>
      tpu.wait_indirect_dma semaphore(%arg10 : memref<!tpu.dma_semaphore, #tpu.memory_space<semaphore_mem>>) src(%dma_wait3A_80 : memref<1015808x64xf32, #tpu.memory_space<hbm>>) dst(%dma_wait3A_76 : memref<104x64xf32, #tpu.memory_space<vmem>>)
      %dma_wait3A_81 = arith.constant 0 : i32
      %dma_wait3A_82 = arith.constant 0 : i32
      %dma_wait3A_83 = arith.constant 0 : i32
      %dma_wait3A_84 = tpu.memref_slice %arg8[%dma_wait3A_81, %dma_wait3A_82, %dma_wait3A_83] : memref<2x96x64xf32, #tpu.memory_space<vmem>> -> memref<1x96x64xf32, #tpu.memory_space<vmem>>
      %dma_wait3A_85 = tpu.memref_squeeze %dma_wait3A_84 : memref<1x96x64xf32, #tpu.memory_space<vmem>> -> memref<96x64xf32, #tpu.memory_space<vmem>>
      %dma_wait3A_86 = tpu.memref_slice %arg6[%add3A_72] : memref<25600xi32, #tpu.memory_space<vmem>> -> memref<96xi32, #tpu.memory_space<vmem>>
      %dma_wait3A_87 = arith.constant 0 : i32
      %dma_wait3A_88 = arith.constant 0 : i32
      %dma_wait3A_89 = tpu.memref_slice %arg3[%dma_wait3A_87, %dma_wait3A_88] : memref<1015808x64xf32, #tpu.memory_space<hbm>> -> memref<1015808x64xf32, #tpu.memory_space<hbm>>
      tpu.wait_indirect_dma semaphore(%arg10 : memref<!tpu.dma_semaphore, #tpu.memory_space<semaphore_mem>>) src(%dma_wait3A_89 : memref<1015808x64xf32, #tpu.memory_space<hbm>>) dst(%dma_wait3A_85 : memref<96x64xf32, #tpu.memory_space<vmem>>)
      %scan3A_90 = arith.constant 0 : i32
      %scan3A_91 = arith.constant 24 : i32
      %scan3A_92 = arith.addi %scan3A_90, %scan3A_91 : i32
      %scan3A_93 = arith.constant 1 : i32
      %scan3A_94:4 = scf.for %scan3A_179 = %scan3A_90 to %scan3A_92 step %scan3A_93 iter_args(%scan3A_180 = %broadcast_in_dim3A_8, %scan3A_181 = %broadcast_in_dim3A_8, %scan3A_182 = %broadcast_in_dim3A_8, %scan3A_183 = %broadcast_in_dim3A_8) -> (vector<16xf32>, vector<16xf32>, vector<16xf32>, vector<16xf32>)  : i32 {
        %mul3A_184 = arith.constant 4 : i32
        %mul3A_185 = arith.muli %scan3A_179, %mul3A_184 : i32
        %add3A_186 = arith.constant 0 : i32
        %add3A_187 = arith.addi %mul3A_185, %add3A_186 : i32
        %get3A = arith.constant 0 : i32
        %get3A_188 = arith.index_cast %get3A : i32 to index
        %get3A_189 = arith.index_cast %add3A_187 : i32 to index
        %get3A_190 = arith.constant 0 : index
        %get3A_191 = tpu.vector_load %arg7[%get3A_188, %get3A_189, %get3A_190] {strides = array<i32>} : memref<2x104x64xf32, #tpu.memory_space<vmem>>, vector<1x1x16xf32>,
        %get3A_192 = vector.shape_cast %get3A_191 : vector<1x1x16xf32> to vector<16xf32>
        %add3A_193 = arith.addf %scan3A_180, %get3A_192 : vector<16xf32>
        %add3A_194 = arith.constant 0 : i32
        %add3A_195 = arith.addi %mul3A_185, %add3A_194 : i32
        %get3A_196 = arith.constant 0 : i32
        %get3A_197 = arith.index_cast %get3A_196 : i32 to index
        %get3A_198 = arith.index_cast %add3A_195 : i32 to index
        %get3A_199 = arith.constant 16 : index
        %get3A_200 = tpu.vector_load %arg7[%get3A_197, %get3A_198, %get3A_199] {strides = array<i32>} : memref<2x104x64xf32, #tpu.memory_space<vmem>>, vector<1x1x16xf32>,
        %get3A_201 = vector.shape_cast %get3A_200 : vector<1x1x16xf32> to vector<16xf32>
        %add3A_202 = arith.addf %scan3A_181, %get3A_201 : vector<16xf32>
        %add3A_203 = arith.constant 0 : i32
        %add3A_204 = arith.addi %mul3A_185, %add3A_203 : i32
        %get3A_205 = arith.constant 0 : i32
        %get3A_206 = arith.index_cast %get3A_205 : i32 to index
        %get3A_207 = arith.index_cast %add3A_204 : i32 to index
        %get3A_208 = arith.constant 32 : index
        %get3A_209 = tpu.vector_load %arg7[%get3A_206, %get3A_207, %get3A_208] {strides = array<i32>} : memref<2x104x64xf32, #tpu.memory_space<vmem>>, vector<1x1x16xf32>,
        %get3A_210 = vector.shape_cast %get3A_209 : vector<1x1x16xf32> to vector<16xf32>
        %add3A_211 = arith.addf %scan3A_182, %get3A_210 : vector<16xf32>
        %add3A_212 = arith.constant 0 : i32
        %add3A_213 = arith.addi %mul3A_185, %add3A_212 : i32
        %get3A_214 = arith.constant 0 : i32
        %get3A_215 = arith.index_cast %get3A_214 : i32 to index
        %get3A_216 = arith.index_cast %add3A_213 : i32 to index
        %get3A_217 = arith.constant 48 : index
        %get3A_218 = tpu.vector_load %arg7[%get3A_215, %get3A_216, %get3A_217] {strides = array<i32>} : memref<2x104x64xf32, #tpu.memory_space<vmem>>, vector<1x1x16xf32>,
        %get3A_219 = vector.shape_cast %get3A_218 : vector<1x1x16xf32> to vector<16xf32>
        %add3A_220 = arith.addf %scan3A_183, %get3A_219 : vector<16xf32>
        %add3A_221 = arith.constant 0 : i32
        %add3A_222 = arith.addi %mul3A_185, %add3A_221 : i32
        %get3A_223 = arith.constant 0 : i32
        %get3A_224 = arith.index_cast %get3A_223 : i32 to index
        %get3A_225 = arith.index_cast %add3A_222 : i32 to index
        %get3A_226 = arith.constant 0 : index
        %get3A_227 = tpu.vector_load %arg8[%get3A_224, %get3A_225, %get3A_226] {strides = array<i32>} : memref<2x96x64xf32, #tpu.memory_space<vmem>>, vector<1x1x16xf32>,
        %get3A_228 = vector.shape_cast %get3A_227 : vector<1x1x16xf32> to vector<16xf32>
        %add3A_229 = arith.addf %add3A_193, %get3A_228 : vector<16xf32>
        %add3A_230 = arith.constant 0 : i32
        %add3A_231 = arith.addi %mul3A_185, %add3A_230 : i32
        %get3A_232 = arith.constant 0 : i32
        %get3A_233 = arith.index_cast %get3A_232 : i32 to index
        %get3A_234 = arith.index_cast %add3A_231 : i32 to index
        %get3A_235 = arith.constant 16 : index
        %get3A_236 = tpu.vector_load %arg8[%get3A_233, %get3A_234, %get3A_235] {strides = array<i32>} : memref<2x96x64xf32, #tpu.memory_space<vmem>>, vector<1x1x16xf32>,
        %get3A_237 = vector.shape_cast %get3A_236 : vector<1x1x16xf32> to vector<16xf32>
        %add3A_238 = arith.addf %add3A_202, %get3A_237 : vector<16xf32>
        %add3A_239 = arith.constant 0 : i32
        %add3A_240 = arith.addi %mul3A_185, %add3A_239 : i32
        %get3A_241 = arith.constant 0 : i32
        %get3A_242 = arith.index_cast %get3A_241 : i32 to index
        %get3A_243 = arith.index_cast %add3A_240 : i32 to index
        %get3A_244 = arith.constant 32 : index
        %get3A_245 = tpu.vector_load %arg8[%get3A_242, %get3A_243, %get3A_244] {strides = array<i32>} : memref<2x96x64xf32, #tpu.memory_space<vmem>>, vector<1x1x16xf32>,
        %get3A_246 = vector.shape_cast %get3A_245 : vector<1x1x16xf32> to vector<16xf32>
        %add3A_247 = arith.addf %add3A_211, %get3A_246 : vector<16xf32>
        %add3A_248 = arith.constant 0 : i32
        %add3A_249 = arith.addi %mul3A_185, %add3A_248 : i32
        %get3A_250 = arith.constant 0 : i32
        %get3A_251 = arith.index_cast %get3A_250 : i32 to index
        %get3A_252 = arith.index_cast %add3A_249 : i32 to index
        %get3A_253 = arith.constant 48 : index
        %get3A_254 = tpu.vector_load %arg8[%get3A_251, %get3A_252, %get3A_253] {strides = array<i32>} : memref<2x96x64xf32, #tpu.memory_space<vmem>>, vector<1x1x16xf32>,
        %get3A_255 = vector.shape_cast %get3A_254 : vector<1x1x16xf32> to vector<16xf32>
        %add3A_256 = arith.addf %add3A_220, %get3A_255 : vector<16xf32>
        %add3A_257 = arith.constant 1 : i32
        %add3A_258 = arith.addi %mul3A_185, %add3A_257 : i32
        %get3A_259 = arith.constant 0 : i32
        %get3A_260 = arith.index_cast %get3A_259 : i32 to index
        %get3A_261 = arith.index_cast %add3A_258 : i32 to index
        %get3A_262 = arith.constant 0 : index
        %get3A_263 = tpu.vector_load %arg7[%get3A_260, %get3A_261, %get3A_262] {strides = array<i32>} : memref<2x104x64xf32, #tpu.memory_space<vmem>>, vector<1x1x16xf32>,
        %get3A_264 = vector.shape_cast %get3A_263 : vector<1x1x16xf32> to vector<16xf32>
        %add3A_265 = arith.addf %add3A_229, %get3A_264 : vector<16xf32>
        %add3A_266 = arith.constant 1 : i32
        %add3A_267 = arith.addi %mul3A_185, %add3A_266 : i32
        %get3A_268 = arith.constant 0 : i32
        %get3A_269 = arith.index_cast %get3A_268 : i32 to index
        %get3A_270 = arith.index_cast %add3A_267 : i32 to index
        %get3A_271 = arith.constant 16 : index
        %get3A_272 = tpu.vector_load %arg7[%get3A_269, %get3A_270, %get3A_271] {strides = array<i32>} : memref<2x104x64xf32, #tpu.memory_space<vmem>>, vector<1x1x16xf32>,
        %get3A_273 = vector.shape_cast %get3A_272 : vector<1x1x16xf32> to vector<16xf32>
        %add3A_274 = arith.addf %add3A_238, %get3A_273 : vector<16xf32>
        %add3A_275 = arith.constant 1 : i32
        %add3A_276 = arith.addi %mul3A_185, %add3A_275 : i32
        %get3A_277 = arith.constant 0 : i32
        %get3A_278 = arith.index_cast %get3A_277 : i32 to index
        %get3A_279 = arith.index_cast %add3A_276 : i32 to index
        %get3A_280 = arith.constant 32 : index
        %get3A_281 = tpu.vector_load %arg7[%get3A_278, %get3A_279, %get3A_280] {strides = array<i32>} : memref<2x104x64xf32, #tpu.memory_space<vmem>>, vector<1x1x16xf32>,
        %get3A_282 = vector.shape_cast %get3A_281 : vector<1x1x16xf32> to vector<16xf32>
        %add3A_283 = arith.addf %add3A_247, %get3A_282 : vector<16xf32>
        %add3A_284 = arith.constant 1 : i32
        %add3A_285 = arith.addi %mul3A_185, %add3A_284 : i32
        %get3A_286 = arith.constant 0 : i32
        %get3A_287 = arith.index_cast %get3A_286 : i32 to index
        %get3A_288 = arith.index_cast %add3A_285 : i32 to index
        %get3A_289 = arith.constant 48 : index
        %get3A_290 = tpu.vector_load %arg7[%get3A_287, %get3A_288, %get3A_289] {strides = array<i32>} : memref<2x104x64xf32, #tpu.memory_space<vmem>>, vector<1x1x16xf32>,
        %get3A_291 = vector.shape_cast %get3A_290 : vector<1x1x16xf32> to vector<16xf32>
        %add3A_292 = arith.addf %add3A_256, %get3A_291 : vector<16xf32>
        %add3A_293 = arith.constant 1 : i32
        %add3A_294 = arith.addi %mul3A_185, %add3A_293 : i32
        %get3A_295 = arith.constant 0 : i32
        %get3A_296 = arith.index_cast %get3A_295 : i32 to index
        %get3A_297 = arith.index_cast %add3A_294 : i32 to index
        %get3A_298 = arith.constant 0 : index
        %get3A_299 = tpu.vector_load %arg8[%get3A_296, %get3A_297, %get3A_298] {strides = array<i32>} : memref<2x96x64xf32, #tpu.memory_space<vmem>>, vector<1x1x16xf32>,
        %get3A_300 = vector.shape_cast %get3A_299 : vector<1x1x16xf32> to vector<16xf32>
        %add3A_301 = arith.addf %add3A_265, %get3A_300 : vector<16xf32>
        %add3A_302 = arith.constant 1 : i32
        %add3A_303 = arith.addi %mul3A_185, %add3A_302 : i32
        %get3A_304 = arith.constant 0 : i32
        %get3A_305 = arith.index_cast %get3A_304 : i32 to index
        %get3A_306 = arith.index_cast %add3A_303 : i32 to index
        %get3A_307 = arith.constant 16 : index
        %get3A_308 = tpu.vector_load %arg8[%get3A_305, %get3A_306, %get3A_307] {strides = array<i32>} : memref<2x96x64xf32, #tpu.memory_space<vmem>>, vector<1x1x16xf32>,
        %get3A_309 = vector.shape_cast %get3A_308 : vector<1x1x16xf32> to vector<16xf32>
        %add3A_310 = arith.addf %add3A_274, %get3A_309 : vector<16xf32>
        %add3A_311 = arith.constant 1 : i32
        %add3A_312 = arith.addi %mul3A_185, %add3A_311 : i32
        %get3A_313 = arith.constant 0 : i32
        %get3A_314 = arith.index_cast %get3A_313 : i32 to index
        %get3A_315 = arith.index_cast %add3A_312 : i32 to index
        %get3A_316 = arith.constant 32 : index
        %get3A_317 = tpu.vector_load %arg8[%get3A_314, %get3A_315, %get3A_316] {strides = array<i32>} : memref<2x96x64xf32, #tpu.memory_space<vmem>>, vector<1x1x16xf32>,
        %get3A_318 = vector.shape_cast %get3A_317 : vector<1x1x16xf32> to vector<16xf32>
        %add3A_319 = arith.addf %add3A_283, %get3A_318 : vector<16xf32>
        %add3A_320 = arith.constant 1 : i32
        %add3A_321 = arith.addi %mul3A_185, %add3A_320 : i32
        %get3A_322 = arith.constant 0 : i32
        %get3A_323 = arith.index_cast %get3A_322 : i32 to index
        %get3A_324 = arith.index_cast %add3A_321 : i32 to index
        %get3A_325 = arith.constant 48 : index
        %get3A_326 = tpu.vector_load %arg8[%get3A_323, %get3A_324, %get3A_325] {strides = array<i32>} : memref<2x96x64xf32, #tpu.memory_space<vmem>>, vector<1x1x16xf32>,
        %get3A_327 = vector.shape_cast %get3A_326 : vector<1x1x16xf32> to vector<16xf32>
        %add3A_328 = arith.addf %add3A_292, %get3A_327 : vector<16xf32>
        %add3A_329 = arith.constant 2 : i32
        %add3A_330 = arith.addi %mul3A_185, %add3A_329 : i32
        %get3A_331 = arith.constant 0 : i32
        %get3A_332 = arith.index_cast %get3A_331 : i32 to index
        %get3A_333 = arith.index_cast %add3A_330 : i32 to index
        %get3A_334 = arith.constant 0 : index
        %get3A_335 = tpu.vector_load %arg7[%get3A_332, %get3A_333, %get3A_334] {strides = array<i32>} : memref<2x104x64xf32, #tpu.memory_space<vmem>>, vector<1x1x16xf32>,
        %get3A_336 = vector.shape_cast %get3A_335 : vector<1x1x16xf32> to vector<16xf32>
        %add3A_337 = arith.addf %add3A_301, %get3A_336 : vector<16xf32>
        %add3A_338 = arith.constant 2 : i32
        %add3A_339 = arith.addi %mul3A_185, %add3A_338 : i32
        %get3A_340 = arith.constant 0 : i32
        %get3A_341 = arith.index_cast %get3A_340 : i32 to index
        %get3A_342 = arith.index_cast %add3A_339 : i32 to index
        %get3A_343 = arith.constant 16 : index
        %get3A_344 = tpu.vector_load %arg7[%get3A_341, %get3A_342, %get3A_343] {strides = array<i32>} : memref<2x104x64xf32, #tpu.memory_space<vmem>>, vector<1x1x16xf32>,
        %get3A_345 = vector.shape_cast %get3A_344 : vector<1x1x16xf32> to vector<16xf32>
        %add3A_346 = arith.addf %add3A_310, %get3A_345 : vector<16xf32>
        %add3A_347 = arith.constant 2 : i32
        %add3A_348 = arith.addi %mul3A_185, %add3A_347 : i32
        %get3A_349 = arith.constant 0 : i32
        %get3A_350 = arith.index_cast %get3A_349 : i32 to index
        %get3A_351 = arith.index_cast %add3A_348 : i32 to index
        %get3A_352 = arith.constant 32 : index
        %get3A_353 = tpu.vector_load %arg7[%get3A_350, %get3A_351, %get3A_352] {strides = array<i32>} : memref<2x104x64xf32, #tpu.memory_space<vmem>>, vector<1x1x16xf32>,
        %get3A_354 = vector.shape_cast %get3A_353 : vector<1x1x16xf32> to vector<16xf32>
        %add3A_355 = arith.addf %add3A_319, %get3A_354 : vector<16xf32>
        %add3A_356 = arith.constant 2 : i32
        %add3A_357 = arith.addi %mul3A_185, %add3A_356 : i32
        %get3A_358 = arith.constant 0 : i32
        %get3A_359 = arith.index_cast %get3A_358 : i32 to index
        %get3A_360 = arith.index_cast %add3A_357 : i32 to index
        %get3A_361 = arith.constant 48 : index
        %get3A_362 = tpu.vector_load %arg7[%get3A_359, %get3A_360, %get3A_361] {strides = array<i32>} : memref<2x104x64xf32, #tpu.memory_space<vmem>>, vector<1x1x16xf32>,
        %get3A_363 = vector.shape_cast %get3A_362 : vector<1x1x16xf32> to vector<16xf32>
        %add3A_364 = arith.addf %add3A_328, %get3A_363 : vector<16xf32>
        %add3A_365 = arith.constant 2 : i32
        %add3A_366 = arith.addi %mul3A_185, %add3A_365 : i32
        %get3A_367 = arith.constant 0 : i32
        %get3A_368 = arith.index_cast %get3A_367 : i32 to index
        %get3A_369 = arith.index_cast %add3A_366 : i32 to index
        %get3A_370 = arith.constant 0 : index
        %get3A_371 = tpu.vector_load %arg8[%get3A_368, %get3A_369, %get3A_370] {strides = array<i32>} : memref<2x96x64xf32, #tpu.memory_space<vmem>>, vector<1x1x16xf32>,
        %get3A_372 = vector.shape_cast %get3A_371 : vector<1x1x16xf32> to vector<16xf32>
        %add3A_373 = arith.addf %add3A_337, %get3A_372 : vector<16xf32>
        %add3A_374 = arith.constant 2 : i32
        %add3A_375 = arith.addi %mul3A_185, %add3A_374 : i32
        %get3A_376 = arith.constant 0 : i32
        %get3A_377 = arith.index_cast %get3A_376 : i32 to index
        %get3A_378 = arith.index_cast %add3A_375 : i32 to index
        %get3A_379 = arith.constant 16 : index
        %get3A_380 = tpu.vector_load %arg8[%get3A_377, %get3A_378, %get3A_379] {strides = array<i32>} : memref<2x96x64xf32, #tpu.memory_space<vmem>>, vector<1x1x16xf32>,
        %get3A_381 = vector.shape_cast %get3A_380 : vector<1x1x16xf32> to vector<16xf32>
        %add3A_382 = arith.addf %add3A_346, %get3A_381 : vector<16xf32>
        %add3A_383 = arith.constant 2 : i32
        %add3A_384 = arith.addi %mul3A_185, %add3A_383 : i32
        %get3A_385 = arith.constant 0 : i32
        %get3A_386 = arith.index_cast %get3A_385 : i32 to index
        %get3A_387 = arith.index_cast %add3A_384 : i32 to index
        %get3A_388 = arith.constant 32 : index
        %get3A_389 = tpu.vector_load %arg8[%get3A_386, %get3A_387, %get3A_388] {strides = array<i32>} : memref<2x96x64xf32, #tpu.memory_space<vmem>>, vector<1x1x16xf32>,
        %get3A_390 = vector.shape_cast %get3A_389 : vector<1x1x16xf32> to vector<16xf32>
        %add3A_391 = arith.addf %add3A_355, %get3A_390 : vector<16xf32>
        %add3A_392 = arith.constant 2 : i32
        %add3A_393 = arith.addi %mul3A_185, %add3A_392 : i32
        %get3A_394 = arith.constant 0 : i32
        %get3A_395 = arith.index_cast %get3A_394 : i32 to index
        %get3A_396 = arith.index_cast %add3A_393 : i32 to index
        %get3A_397 = arith.constant 48 : index
        %get3A_398 = tpu.vector_load %arg8[%get3A_395, %get3A_396, %get3A_397] {strides = array<i32>} : memref<2x96x64xf32, #tpu.memory_space<vmem>>, vector<1x1x16xf32>,
        %get3A_399 = vector.shape_cast %get3A_398 : vector<1x1x16xf32> to vector<16xf32>
        %add3A_400 = arith.addf %add3A_364, %get3A_399 : vector<16xf32>
        %add3A_401 = arith.constant 3 : i32
        %add3A_402 = arith.addi %mul3A_185, %add3A_401 : i32
        %get3A_403 = arith.constant 0 : i32
        %get3A_404 = arith.index_cast %get3A_403 : i32 to index
        %get3A_405 = arith.index_cast %add3A_402 : i32 to index
        %get3A_406 = arith.constant 0 : index
        %get3A_407 = tpu.vector_load %arg7[%get3A_404, %get3A_405, %get3A_406] {strides = array<i32>} : memref<2x104x64xf32, #tpu.memory_space<vmem>>, vector<1x1x16xf32>,
        %get3A_408 = vector.shape_cast %get3A_407 : vector<1x1x16xf32> to vector<16xf32>
        %add3A_409 = arith.addf %add3A_373, %get3A_408 : vector<16xf32>
        %add3A_410 = arith.constant 3 : i32
        %add3A_411 = arith.addi %mul3A_185, %add3A_410 : i32
        %get3A_412 = arith.constant 0 : i32
        %get3A_413 = arith.index_cast %get3A_412 : i32 to index
        %get3A_414 = arith.index_cast %add3A_411 : i32 to index
        %get3A_415 = arith.constant 16 : index
        %get3A_416 = tpu.vector_load %arg7[%get3A_413, %get3A_414, %get3A_415] {strides = array<i32>} : memref<2x104x64xf32, #tpu.memory_space<vmem>>, vector<1x1x16xf32>,
        %get3A_417 = vector.shape_cast %get3A_416 : vector<1x1x16xf32> to vector<16xf32>
        %add3A_418 = arith.addf %add3A_382, %get3A_417 : vector<16xf32>
        %add3A_419 = arith.constant 3 : i32
        %add3A_420 = arith.addi %mul3A_185, %add3A_419 : i32
        %get3A_421 = arith.constant 0 : i32
        %get3A_422 = arith.index_cast %get3A_421 : i32 to index
        %get3A_423 = arith.index_cast %add3A_420 : i32 to index
        %get3A_424 = arith.constant 32 : index
        %get3A_425 = tpu.vector_load %arg7[%get3A_422, %get3A_423, %get3A_424] {strides = array<i32>} : memref<2x104x64xf32, #tpu.memory_space<vmem>>, vector<1x1x16xf32>,
        %get3A_426 = vector.shape_cast %get3A_425 : vector<1x1x16xf32> to vector<16xf32>
        %add3A_427 = arith.addf %add3A_391, %get3A_426 : vector<16xf32>
        %add3A_428 = arith.constant 3 : i32
        %add3A_429 = arith.addi %mul3A_185, %add3A_428 : i32
        %get3A_430 = arith.constant 0 : i32
        %get3A_431 = arith.index_cast %get3A_430 : i32 to index
        %get3A_432 = arith.index_cast %add3A_429 : i32 to index
        %get3A_433 = arith.constant 48 : index
        %get3A_434 = tpu.vector_load %arg7[%get3A_431, %get3A_432, %get3A_433] {strides = array<i32>} : memref<2x104x64xf32, #tpu.memory_space<vmem>>, vector<1x1x16xf32>,
        %get3A_435 = vector.shape_cast %get3A_434 : vector<1x1x16xf32> to vector<16xf32>
        %add3A_436 = arith.addf %add3A_400, %get3A_435 : vector<16xf32>
        %add3A_437 = arith.constant 3 : i32
        %add3A_438 = arith.addi %mul3A_185, %add3A_437 : i32
        %get3A_439 = arith.constant 0 : i32
        %get3A_440 = arith.index_cast %get3A_439 : i32 to index
        %get3A_441 = arith.index_cast %add3A_438 : i32 to index
        %get3A_442 = arith.constant 0 : index
        %get3A_443 = tpu.vector_load %arg8[%get3A_440, %get3A_441, %get3A_442] {strides = array<i32>} : memref<2x96x64xf32, #tpu.memory_space<vmem>>, vector<1x1x16xf32>,
        %get3A_444 = vector.shape_cast %get3A_443 : vector<1x1x16xf32> to vector<16xf32>
        %add3A_445 = arith.addf %add3A_409, %get3A_444 : vector<16xf32>
        %add3A_446 = arith.constant 3 : i32
        %add3A_447 = arith.addi %mul3A_185, %add3A_446 : i32
        %get3A_448 = arith.constant 0 : i32
        %get3A_449 = arith.index_cast %get3A_448 : i32 to index
        %get3A_450 = arith.index_cast %add3A_447 : i32 to index
        %get3A_451 = arith.constant 16 : index
        %get3A_452 = tpu.vector_load %arg8[%get3A_449, %get3A_450, %get3A_451] {strides = array<i32>} : memref<2x96x64xf32, #tpu.memory_space<vmem>>, vector<1x1x16xf32>,
        %get3A_453 = vector.shape_cast %get3A_452 : vector<1x1x16xf32> to vector<16xf32>
        %add3A_454 = arith.addf %add3A_418, %get3A_453 : vector<16xf32>
        %add3A_455 = arith.constant 3 : i32
        %add3A_456 = arith.addi %mul3A_185, %add3A_455 : i32
        %get3A_457 = arith.constant 0 : i32
        %get3A_458 = arith.index_cast %get3A_457 : i32 to index
        %get3A_459 = arith.index_cast %add3A_456 : i32 to index
        %get3A_460 = arith.constant 32 : index
        %get3A_461 = tpu.vector_load %arg8[%get3A_458, %get3A_459, %get3A_460] {strides = array<i32>} : memref<2x96x64xf32, #tpu.memory_space<vmem>>, vector<1x1x16xf32>,
        %get3A_462 = vector.shape_cast %get3A_461 : vector<1x1x16xf32> to vector<16xf32>
        %add3A_463 = arith.addf %add3A_427, %get3A_462 : vector<16xf32>
        %add3A_464 = arith.constant 3 : i32
        %add3A_465 = arith.addi %mul3A_185, %add3A_464 : i32
        %get3A_466 = arith.constant 0 : i32
        %get3A_467 = arith.index_cast %get3A_466 : i32 to index
        %get3A_468 = arith.index_cast %add3A_465 : i32 to index
        %get3A_469 = arith.constant 48 : index
        %get3A_470 = tpu.vector_load %arg8[%get3A_467, %get3A_468, %get3A_469] {strides = array<i32>} : memref<2x96x64xf32, #tpu.memory_space<vmem>>, vector<1x1x16xf32>,
        %get3A_471 = vector.shape_cast %get3A_470 : vector<1x1x16xf32> to vector<16xf32>
        %add3A_472 = arith.addf %add3A_436, %get3A_471 : vector<16xf32>
        scf.yield %add3A_445, %add3A_454, %add3A_463, %add3A_472 : vector<16xf32>, vector<16xf32>, vector<16xf32>, vector<16xf32>
      }
      %scan3A_95 = arith.constant 24 : i32
      %scan3A_96 = arith.constant 0 : i32
      %scan3A_97 = arith.constant 2 : i32
      %scan3A_98 = arith.addi %scan3A_96, %scan3A_97 : i32
      %scan3A_99 = arith.constant 1 : i32
      %scan3A_100:4 = scf.for %scan3A_179 = %scan3A_96 to %scan3A_98 step %scan3A_99 iter_args(%scan3A_180 = %scan3A_94#0, %scan3A_181 = %scan3A_94#1, %scan3A_182 = %scan3A_94#2, %scan3A_183 = %scan3A_94#3) -> (vector<16xf32>, vector<16xf32>, vector<16xf32>, vector<16xf32>)  : i32 {
        %mul3A_184 = arith.constant 4 : i32
        %mul3A_185 = arith.muli %scan3A_179, %mul3A_184 : i32
        %add3A_186 = arith.constant 96 : i32
        %add3A_187 = arith.addi %add3A_186, %mul3A_185 : i32
        %add3A_188 = arith.constant 0 : i32
        %add3A_189 = arith.addi %add3A_187, %add3A_188 : i32
        %get3A = arith.constant 0 : i32
        %get3A_190 = arith.index_cast %get3A : i32 to index
        %get3A_191 = arith.index_cast %add3A_189 : i32 to index
        %get3A_192 = arith.constant 0 : index
        %get3A_193 = tpu.vector_load %arg7[%get3A_190, %get3A_191, %get3A_192] {strides = array<i32>} : memref<2x104x64xf32, #tpu.memory_space<vmem>>, vector<1x1x16xf32>,
        %get3A_194 = vector.shape_cast %get3A_193 : vector<1x1x16xf32> to vector<16xf32>
        %add3A_195 = arith.addf %scan3A_180, %get3A_194 : vector<16xf32>
        %add3A_196 = arith.constant 0 : i32
        %add3A_197 = arith.addi %add3A_187, %add3A_196 : i32
        %get3A_198 = arith.constant 0 : i32
        %get3A_199 = arith.index_cast %get3A_198 : i32 to index
        %get3A_200 = arith.index_cast %add3A_197 : i32 to index
        %get3A_201 = arith.constant 16 : index
        %get3A_202 = tpu.vector_load %arg7[%get3A_199, %get3A_200, %get3A_201] {strides = array<i32>} : memref<2x104x64xf32, #tpu.memory_space<vmem>>, vector<1x1x16xf32>,
        %get3A_203 = vector.shape_cast %get3A_202 : vector<1x1x16xf32> to vector<16xf32>
        %add3A_204 = arith.addf %scan3A_181, %get3A_203 : vector<16xf32>
        %add3A_205 = arith.constant 0 : i32
        %add3A_206 = arith.addi %add3A_187, %add3A_205 : i32
        %get3A_207 = arith.constant 0 : i32
        %get3A_208 = arith.index_cast %get3A_207 : i32 to index
        %get3A_209 = arith.index_cast %add3A_206 : i32 to index
        %get3A_210 = arith.constant 32 : index
        %get3A_211 = tpu.vector_load %arg7[%get3A_208, %get3A_209, %get3A_210] {strides = array<i32>} : memref<2x104x64xf32, #tpu.memory_space<vmem>>, vector<1x1x16xf32>,
        %get3A_212 = vector.shape_cast %get3A_211 : vector<1x1x16xf32> to vector<16xf32>
        %add3A_213 = arith.addf %scan3A_182, %get3A_212 : vector<16xf32>
        %add3A_214 = arith.constant 0 : i32
        %add3A_215 = arith.addi %add3A_187, %add3A_214 : i32
        %get3A_216 = arith.constant 0 : i32
        %get3A_217 = arith.index_cast %get3A_216 : i32 to index
        %get3A_218 = arith.index_cast %add3A_215 : i32 to index
        %get3A_219 = arith.constant 48 : index
        %get3A_220 = tpu.vector_load %arg7[%get3A_217, %get3A_218, %get3A_219] {strides = array<i32>} : memref<2x104x64xf32, #tpu.memory_space<vmem>>, vector<1x1x16xf32>,
        %get3A_221 = vector.shape_cast %get3A_220 : vector<1x1x16xf32> to vector<16xf32>
        %add3A_222 = arith.addf %scan3A_183, %get3A_221 : vector<16xf32>
        %add3A_223 = arith.constant 1 : i32
        %add3A_224 = arith.addi %add3A_187, %add3A_223 : i32
        %get3A_225 = arith.constant 0 : i32
        %get3A_226 = arith.index_cast %get3A_225 : i32 to index
        %get3A_227 = arith.index_cast %add3A_224 : i32 to index
        %get3A_228 = arith.constant 0 : index
        %get3A_229 = tpu.vector_load %arg7[%get3A_226, %get3A_227, %get3A_228] {strides = array<i32>} : memref<2x104x64xf32, #tpu.memory_space<vmem>>, vector<1x1x16xf32>,
        %get3A_230 = vector.shape_cast %get3A_229 : vector<1x1x16xf32> to vector<16xf32>
        %add3A_231 = arith.addf %add3A_195, %get3A_230 : vector<16xf32>
        %add3A_232 = arith.constant 1 : i32
        %add3A_233 = arith.addi %add3A_187, %add3A_232 : i32
        %get3A_234 = arith.constant 0 : i32
        %get3A_235 = arith.index_cast %get3A_234 : i32 to index
        %get3A_236 = arith.index_cast %add3A_233 : i32 to index
        %get3A_237 = arith.constant 16 : index
        %get3A_238 = tpu.vector_load %arg7[%get3A_235, %get3A_236, %get3A_237] {strides = array<i32>} : memref<2x104x64xf32, #tpu.memory_space<vmem>>, vector<1x1x16xf32>,
        %get3A_239 = vector.shape_cast %get3A_238 : vector<1x1x16xf32> to vector<16xf32>
        %add3A_240 = arith.addf %add3A_204, %get3A_239 : vector<16xf32>
        %add3A_241 = arith.constant 1 : i32
        %add3A_242 = arith.addi %add3A_187, %add3A_241 : i32
        %get3A_243 = arith.constant 0 : i32
        %get3A_244 = arith.index_cast %get3A_243 : i32 to index
        %get3A_245 = arith.index_cast %add3A_242 : i32 to index
        %get3A_246 = arith.constant 32 : index
        %get3A_247 = tpu.vector_load %arg7[%get3A_244, %get3A_245, %get3A_246] {strides = array<i32>} : memref<2x104x64xf32, #tpu.memory_space<vmem>>, vector<1x1x16xf32>,
        %get3A_248 = vector.shape_cast %get3A_247 : vector<1x1x16xf32> to vector<16xf32>
        %add3A_249 = arith.addf %add3A_213, %get3A_248 : vector<16xf32>
        %add3A_250 = arith.constant 1 : i32
        %add3A_251 = arith.addi %add3A_187, %add3A_250 : i32
        %get3A_252 = arith.constant 0 : i32
        %get3A_253 = arith.index_cast %get3A_252 : i32 to index
        %get3A_254 = arith.index_cast %add3A_251 : i32 to index
        %get3A_255 = arith.constant 48 : index
        %get3A_256 = tpu.vector_load %arg7[%get3A_253, %get3A_254, %get3A_255] {strides = array<i32>} : memref<2x104x64xf32, #tpu.memory_space<vmem>>, vector<1x1x16xf32>,
        %get3A_257 = vector.shape_cast %get3A_256 : vector<1x1x16xf32> to vector<16xf32>
        %add3A_258 = arith.addf %add3A_222, %get3A_257 : vector<16xf32>
        %add3A_259 = arith.constant 2 : i32
        %add3A_260 = arith.addi %add3A_187, %add3A_259 : i32
        %get3A_261 = arith.constant 0 : i32
        %get3A_262 = arith.index_cast %get3A_261 : i32 to index
        %get3A_263 = arith.index_cast %add3A_260 : i32 to index
        %get3A_264 = arith.constant 0 : index
        %get3A_265 = tpu.vector_load %arg7[%get3A_262, %get3A_263, %get3A_264] {strides = array<i32>} : memref<2x104x64xf32, #tpu.memory_space<vmem>>, vector<1x1x16xf32>,
        %get3A_266 = vector.shape_cast %get3A_265 : vector<1x1x16xf32> to vector<16xf32>
        %add3A_267 = arith.addf %add3A_231, %get3A_266 : vector<16xf32>
        %add3A_268 = arith.constant 2 : i32
        %add3A_269 = arith.addi %add3A_187, %add3A_268 : i32
        %get3A_270 = arith.constant 0 : i32
        %get3A_271 = arith.index_cast %get3A_270 : i32 to index
        %get3A_272 = arith.index_cast %add3A_269 : i32 to index
        %get3A_273 = arith.constant 16 : index
        %get3A_274 = tpu.vector_load %arg7[%get3A_271, %get3A_272, %get3A_273] {strides = array<i32>} : memref<2x104x64xf32, #tpu.memory_space<vmem>>, vector<1x1x16xf32>,
        %get3A_275 = vector.shape_cast %get3A_274 : vector<1x1x16xf32> to vector<16xf32>
        %add3A_276 = arith.addf %add3A_240, %get3A_275 : vector<16xf32>
        %add3A_277 = arith.constant 2 : i32
        %add3A_278 = arith.addi %add3A_187, %add3A_277 : i32
        %get3A_279 = arith.constant 0 : i32
        %get3A_280 = arith.index_cast %get3A_279 : i32 to index
        %get3A_281 = arith.index_cast %add3A_278 : i32 to index
        %get3A_282 = arith.constant 32 : index
        %get3A_283 = tpu.vector_load %arg7[%get3A_280, %get3A_281, %get3A_282] {strides = array<i32>} : memref<2x104x64xf32, #tpu.memory_space<vmem>>, vector<1x1x16xf32>,
        %get3A_284 = vector.shape_cast %get3A_283 : vector<1x1x16xf32> to vector<16xf32>
        %add3A_285 = arith.addf %add3A_249, %get3A_284 : vector<16xf32>
        %add3A_286 = arith.constant 2 : i32
        %add3A_287 = arith.addi %add3A_187, %add3A_286 : i32
        %get3A_288 = arith.constant 0 : i32
        %get3A_289 = arith.index_cast %get3A_288 : i32 to index
        %get3A_290 = arith.index_cast %add3A_287 : i32 to index
        %get3A_291 = arith.constant 48 : index
        %get3A_292 = tpu.vector_load %arg7[%get3A_289, %get3A_290, %get3A_291] {strides = array<i32>} : memref<2x104x64xf32, #tpu.memory_space<vmem>>, vector<1x1x16xf32>,
        %get3A_293 = vector.shape_cast %get3A_292 : vector<1x1x16xf32> to vector<16xf32>
        %add3A_294 = arith.addf %add3A_258, %get3A_293 : vector<16xf32>
        %add3A_295 = arith.constant 3 : i32
        %add3A_296 = arith.addi %add3A_187, %add3A_295 : i32
        %get3A_297 = arith.constant 0 : i32
        %get3A_298 = arith.index_cast %get3A_297 : i32 to index
        %get3A_299 = arith.index_cast %add3A_296 : i32 to index
        %get3A_300 = arith.constant 0 : index
        %get3A_301 = tpu.vector_load %arg7[%get3A_298, %get3A_299, %get3A_300] {strides = array<i32>} : memref<2x104x64xf32, #tpu.memory_space<vmem>>, vector<1x1x16xf32>,
        %get3A_302 = vector.shape_cast %get3A_301 : vector<1x1x16xf32> to vector<16xf32>
        %add3A_303 = arith.addf %add3A_267, %get3A_302 : vector<16xf32>
        %add3A_304 = arith.constant 3 : i32
        %add3A_305 = arith.addi %add3A_187, %add3A_304 : i32
        %get3A_306 = arith.constant 0 : i32
        %get3A_307 = arith.index_cast %get3A_306 : i32 to index
        %get3A_308 = arith.index_cast %add3A_305 : i32 to index
        %get3A_309 = arith.constant 16 : index
        %get3A_310 = tpu.vector_load %arg7[%get3A_307, %get3A_308, %get3A_309] {strides = array<i32>} : memref<2x104x64xf32, #tpu.memory_space<vmem>>, vector<1x1x16xf32>,
        %get3A_311 = vector.shape_cast %get3A_310 : vector<1x1x16xf32> to vector<16xf32>
        %add3A_312 = arith.addf %add3A_276, %get3A_311 : vector<16xf32>
        %add3A_313 = arith.constant 3 : i32
        %add3A_314 = arith.addi %add3A_187, %add3A_313 : i32
        %get3A_315 = arith.constant 0 : i32
        %get3A_316 = arith.index_cast %get3A_315 : i32 to index
        %get3A_317 = arith.index_cast %add3A_314 : i32 to index
        %get3A_318 = arith.constant 32 : index
        %get3A_319 = tpu.vector_load %arg7[%get3A_316, %get3A_317, %get3A_318] {strides = array<i32>} : memref<2x104x64xf32, #tpu.memory_space<vmem>>, vector<1x1x16xf32>,
        %get3A_320 = vector.shape_cast %get3A_319 : vector<1x1x16xf32> to vector<16xf32>
        %add3A_321 = arith.addf %add3A_285, %get3A_320 : vector<16xf32>
        %add3A_322 = arith.constant 3 : i32
        %add3A_323 = arith.addi %add3A_187, %add3A_322 : i32
        %get3A_324 = arith.constant 0 : i32
        %get3A_325 = arith.index_cast %get3A_324 : i32 to index
        %get3A_326 = arith.index_cast %add3A_323 : i32 to index
        %get3A_327 = arith.constant 48 : index
        %get3A_328 = tpu.vector_load %arg7[%get3A_325, %get3A_326, %get3A_327] {strides = array<i32>} : memref<2x104x64xf32, #tpu.memory_space<vmem>>, vector<1x1x16xf32>,
        %get3A_329 = vector.shape_cast %get3A_328 : vector<1x1x16xf32> to vector<16xf32>
        %add3A_330 = arith.addf %add3A_294, %get3A_329 : vector<16xf32>
        scf.yield %add3A_303, %add3A_312, %add3A_321, %add3A_330 : vector<16xf32>, vector<16xf32>, vector<16xf32>, vector<16xf32>
      }
      %scan3A_101 = arith.constant 2 : i32
      %swap3A = arith.index_cast %mul3A_38 : i32 to index
      %swap3A_102 = arith.constant 0 : index
      %swap3A_103 = tpu.vector_load %arg9[%swap3A, %swap3A_102] {strides = array<i32>} : memref<128x64xf32, #tpu.memory_space<vmem>>, vector<1x16xf32>,
      %swap3A_104 = vector.shape_cast %swap3A_103 : vector<1x16xf32> to vector<16xf32>
      %swap3A_105 = vector.shape_cast %scan3A_100#0 : vector<16xf32> to vector<1x16xf32>
      tpu.vector_store %arg9[%swap3A, %swap3A_102], %swap3A_105 {strides = array<i32>} : memref<128x64xf32, #tpu.memory_space<vmem>>, vector<1x16xf32>,
      %swap3A_106 = arith.index_cast %mul3A_38 : i32 to index
      %swap3A_107 = arith.constant 16 : index
      %swap3A_108 = tpu.vector_load %arg9[%swap3A_106, %swap3A_107] {strides = array<i32>} : memref<128x64xf32, #tpu.memory_space<vmem>>, vector<1x16xf32>,
      %swap3A_109 = vector.shape_cast %swap3A_108 : vector<1x16xf32> to vector<16xf32>
      %swap3A_110 = vector.shape_cast %scan3A_100#1 : vector<16xf32> to vector<1x16xf32>
      tpu.vector_store %arg9[%swap3A_106, %swap3A_107], %swap3A_110 {strides = array<i32>} : memref<128x64xf32, #tpu.memory_space<vmem>>, vector<1x16xf32>,
      %swap3A_111 = arith.index_cast %mul3A_38 : i32 to index
      %swap3A_112 = arith.constant 32 : index
      %swap3A_113 = tpu.vector_load %arg9[%swap3A_111, %swap3A_112] {strides = array<i32>} : memref<128x64xf32, #tpu.memory_space<vmem>>, vector<1x16xf32>,
      %swap3A_114 = vector.shape_cast %swap3A_113 : vector<1x16xf32> to vector<16xf32>
      %swap3A_115 = vector.shape_cast %scan3A_100#2 : vector<16xf32> to vector<1x16xf32>
      tpu.vector_store %arg9[%swap3A_111, %swap3A_112], %swap3A_115 {strides = array<i32>} : memref<128x64xf32, #tpu.memory_space<vmem>>, vector<1x16xf32>,
      %swap3A_116 = arith.index_cast %mul3A_38 : i32 to index
      %swap3A_117 = arith.constant 48 : index
      %swap3A_118 = tpu.vector_load %arg9[%swap3A_116, %swap3A_117] {strides = array<i32>} : memref<128x64xf32, #tpu.memory_space<vmem>>, vector<1x16xf32>,
      %swap3A_119 = vector.shape_cast %swap3A_118 : vector<1x16xf32> to vector<16xf32>
      %swap3A_120 = vector.shape_cast %scan3A_100#3 : vector<16xf32> to vector<1x16xf32>
      tpu.vector_store %arg9[%swap3A_116, %swap3A_117], %swap3A_120 {strides = array<i32>} : memref<128x64xf32, #tpu.memory_space<vmem>>, vector<1x16xf32>,
      %lt3A = arith.constant 63 : i32
      %lt3A_121 = arith.cmpi slt, %scan3A_36, %lt3A : i32
      %convert_element_type3A = arith.extui %lt3A_121 : i1 to i32
      %cond3A = arith.constant 0 : i32
      %cond3A_122 = arith.cmpi ne, %convert_element_type3A, %cond3A : i32
      scf.if %cond3A_122 {
        %add3A_179 = arith.constant 2 : i32
        %add3A_180 = arith.addi %mul3A_38, %add3A_179 : i32
        %mul3A_181 = arith.constant 200 : i32
        %mul3A_182 = arith.muli %add3A_180, %mul3A_181 : i32
        %mul3A_183 = arith.constant 200 : i32
        %mul3A_184 = arith.muli %add3A_180, %mul3A_183 : i32
        %add3A_185 = arith.constant 104 : i32
        %add3A_186 = arith.addi %mul3A_184, %add3A_185 : i32
        %dma_start3A_187 = arith.constant 0 : i32
        %dma_start3A_188 = arith.constant 0 : i32
        %dma_start3A_189 = arith.constant 0 : i32
        %dma_start3A_190 = tpu.memref_slice %arg7[%dma_start3A_187, %dma_start3A_188, %dma_start3A_189] : memref<2x104x64xf32, #tpu.memory_space<vmem>> -> memref<1x104x64xf32, #tpu.memory_space<vmem>>
        %dma_start3A_191 = tpu.memref_squeeze %dma_start3A_190 : memref<1x104x64xf32, #tpu.memory_space<vmem>> -> memref<104x64xf32, #tpu.memory_space<vmem>>
        %dma_start3A_192 = tpu.memref_slice %arg6[%mul3A_182] : memref<25600xi32, #tpu.memory_space<vmem>> -> memref<104xi32, #tpu.memory_space<vmem>>
        %dma_start3A_193 = arith.constant 0 : i32
        %dma_start3A_194 = arith.constant 0 : i32
        %dma_start3A_195 = tpu.memref_slice %arg3[%dma_start3A_193, %dma_start3A_194] : memref<1015808x64xf32, #tpu.memory_space<hbm>> -> memref<1015808x64xf32, #tpu.memory_space<hbm>>
        tpu.enqueue_indirect_dma source(%dma_start3A_195 : memref<1015808x64xf32, #tpu.memory_space<hbm>>) target(%dma_start3A_191 : memref<104x64xf32, #tpu.memory_space<vmem>>) offsets(%dma_start3A_192 : memref<104xi32, #tpu.memory_space<vmem>>) semaphore(%arg10 : memref<!tpu.dma_semaphore, #tpu.memory_space<semaphore_mem>>)
        %dma_start3A_196 = arith.constant 0 : i32
        %dma_start3A_197 = arith.constant 0 : i32
        %dma_start3A_198 = arith.constant 0 : i32
        %dma_start3A_199 = tpu.memref_slice %arg8[%dma_start3A_196, %dma_start3A_197, %dma_start3A_198] : memref<2x96x64xf32, #tpu.memory_space<vmem>> -> memref<1x96x64xf32, #tpu.memory_space<vmem>>
        %dma_start3A_200 = tpu.memref_squeeze %dma_start3A_199 : memref<1x96x64xf32, #tpu.memory_space<vmem>> -> memref<96x64xf32, #tpu.memory_space<vmem>>
        %dma_start3A_201 = tpu.memref_slice %arg6[%add3A_186] : memref<25600xi32, #tpu.memory_space<vmem>> -> memref<96xi32, #tpu.memory_space<vmem>>
        %dma_start3A_202 = arith.constant 0 : i32
        %dma_start3A_203 = arith.constant 0 : i32
        %dma_start3A_204 = tpu.memref_slice %arg3[%dma_start3A_202, %dma_start3A_203] : memref<1015808x64xf32, #tpu.memory_space<hbm>> -> memref<1015808x64xf32, #tpu.memory_space<hbm>>
        tpu.enqueue_indirect_dma source(%dma_start3A_204 : memref<1015808x64xf32, #tpu.memory_space<hbm>>) target(%dma_start3A_200 : memref<96x64xf32, #tpu.memory_space<vmem>>) offsets(%dma_start3A_201 : memref<96xi32, #tpu.memory_space<vmem>>) semaphore(%arg10 : memref<!tpu.dma_semaphore, #tpu.memory_space<semaphore_mem>>)
      } else {
      }
      %mul3A_123 = arith.constant 200 : i32
      %mul3A_124 = arith.muli %add3A_42, %mul3A_123 : i32
      %mul3A_125 = arith.constant 200 : i32
      %mul3A_126 = arith.muli %add3A_42, %mul3A_125 : i32
      %add3A_127 = arith.constant 104 : i32
      %add3A_128 = arith.addi %mul3A_126, %add3A_127 : i32
      %dma_wait3A_129 = arith.constant 1 : i32
      %dma_wait3A_130 = arith.constant 0 : i32
      %dma_wait3A_131 = arith.constant 0 : i32
      %dma_wait3A_132 = tpu.memref_slice %arg7[%dma_wait3A_129, %dma_wait3A_130, %dma_wait3A_131] : memref<2x104x64xf32, #tpu.memory_space<vmem>> -> memref<1x104x64xf32, #tpu.memory_space<vmem>>
      %dma_wait3A_133 = tpu.memref_squeeze %dma_wait3A_132 : memref<1x104x64xf32, #tpu.memory_space<vmem>> -> memref<104x64xf32, #tpu.memory_space<vmem>>
      %dma_wait3A_134 = tpu.memref_slice %arg6[%mul3A_124] : memref<25600xi32, #tpu.memory_space<vmem>> -> memref<104xi32, #tpu.memory_space<vmem>>
      %dma_wait3A_135 = arith.constant 0 : i32
      %dma_wait3A_136 = arith.constant 0 : i32
      %dma_wait3A_137 = tpu.memref_slice %arg3[%dma_wait3A_135, %dma_wait3A_136] : memref<1015808x64xf32, #tpu.memory_space<hbm>> -> memref<1015808x64xf32, #tpu.memory_space<hbm>>
      tpu.wait_indirect_dma semaphore(%arg11 : memref<!tpu.dma_semaphore, #tpu.memory_space<semaphore_mem>>) src(%dma_wait3A_137 : memref<1015808x64xf32, #tpu.memory_space<hbm>>) dst(%dma_wait3A_133 : memref<104x64xf32, #tpu.memory_space<vmem>>)
      %dma_wait3A_138 = arith.constant 1 : i32
      %dma_wait3A_139 = arith.constant 0 : i32
      %dma_wait3A_140 = arith.constant 0 : i32
      %dma_wait3A_141 = tpu.memref_slice %arg8[%dma_wait3A_138, %dma_wait3A_139, %dma_wait3A_140] : memref<2x96x64xf32, #tpu.memory_space<vmem>> -> memref<1x96x64xf32, #tpu.memory_space<vmem>>
      %dma_wait3A_142 = tpu.memref_squeeze %dma_wait3A_141 : memref<1x96x64xf32, #tpu.memory_space<vmem>> -> memref<96x64xf32, #tpu.memory_space<vmem>>
      %dma_wait3A_143 = tpu.memref_slice %arg6[%add3A_128] : memref<25600xi32, #tpu.memory_space<vmem>> -> memref<96xi32, #tpu.memory_space<vmem>>
      %dma_wait3A_144 = arith.constant 0 : i32
      %dma_wait3A_145 = arith.constant 0 : i32
      %dma_wait3A_146 = tpu.memref_slice %arg3[%dma_wait3A_144, %dma_wait3A_145] : memref<1015808x64xf32, #tpu.memory_space<hbm>> -> memref<1015808x64xf32, #tpu.memory_space<hbm>>
      tpu.wait_indirect_dma semaphore(%arg11 : memref<!tpu.dma_semaphore, #tpu.memory_space<semaphore_mem>>) src(%dma_wait3A_146 : memref<1015808x64xf32, #tpu.memory_space<hbm>>) dst(%dma_wait3A_142 : memref<96x64xf32, #tpu.memory_space<vmem>>)
      %scan3A_147 = arith.constant 0 : i32
      %scan3A_148 = arith.constant 24 : i32
      %scan3A_149 = arith.addi %scan3A_147, %scan3A_148 : i32
      %scan3A_150 = arith.constant 1 : i32
      %scan3A_151:4 = scf.for %scan3A_179 = %scan3A_147 to %scan3A_149 step %scan3A_150 iter_args(%scan3A_180 = %broadcast_in_dim3A_8, %scan3A_181 = %broadcast_in_dim3A_8, %scan3A_182 = %broadcast_in_dim3A_8, %scan3A_183 = %broadcast_in_dim3A_8) -> (vector<16xf32>, vector<16xf32>, vector<16xf32>, vector<16xf32>)  : i32 {
        %mul3A_184 = arith.constant 4 : i32
        %mul3A_185 = arith.muli %scan3A_179, %mul3A_184 : i32
        %add3A_186 = arith.constant 0 : i32
        %add3A_187 = arith.addi %mul3A_185, %add3A_186 : i32
        %get3A = arith.constant 1 : i32
        %get3A_188 = arith.index_cast %get3A : i32 to index
        %get3A_189 = arith.index_cast %add3A_187 : i32 to index
        %get3A_190 = arith.constant 0 : index
        %get3A_191 = tpu.vector_load %arg7[%get3A_188, %get3A_189, %get3A_190] {strides = array<i32>} : memref<2x104x64xf32, #tpu.memory_space<vmem>>, vector<1x1x16xf32>,
        %get3A_192 = vector.shape_cast %get3A_191 : vector<1x1x16xf32> to vector<16xf32>
        %add3A_193 = arith.addf %scan3A_180, %get3A_192 : vector<16xf32>
        %add3A_194 = arith.constant 0 : i32
        %add3A_195 = arith.addi %mul3A_185, %add3A_194 : i32
        %get3A_196 = arith.constant 1 : i32
        %get3A_197 = arith.index_cast %get3A_196 : i32 to index
        %get3A_198 = arith.index_cast %add3A_195 : i32 to index
        %get3A_199 = arith.constant 16 : index
        %get3A_200 = tpu.vector_load %arg7[%get3A_197, %get3A_198, %get3A_199] {strides = array<i32>} : memref<2x104x64xf32, #tpu.memory_space<vmem>>, vector<1x1x16xf32>,
        %get3A_201 = vector.shape_cast %get3A_200 : vector<1x1x16xf32> to vector<16xf32>
        %add3A_202 = arith.addf %scan3A_181, %get3A_201 : vector<16xf32>
        %add3A_203 = arith.constant 0 : i32
        %add3A_204 = arith.addi %mul3A_185, %add3A_203 : i32
        %get3A_205 = arith.constant 1 : i32
        %get3A_206 = arith.index_cast %get3A_205 : i32 to index
        %get3A_207 = arith.index_cast %add3A_204 : i32 to index
        %get3A_208 = arith.constant 32 : index
        %get3A_209 = tpu.vector_load %arg7[%get3A_206, %get3A_207, %get3A_208] {strides = array<i32>} : memref<2x104x64xf32, #tpu.memory_space<vmem>>, vector<1x1x16xf32>,
        %get3A_210 = vector.shape_cast %get3A_209 : vector<1x1x16xf32> to vector<16xf32>
        %add3A_211 = arith.addf %scan3A_182, %get3A_210 : vector<16xf32>
        %add3A_212 = arith.constant 0 : i32
        %add3A_213 = arith.addi %mul3A_185, %add3A_212 : i32
        %get3A_214 = arith.constant 1 : i32
        %get3A_215 = arith.index_cast %get3A_214 : i32 to index
        %get3A_216 = arith.index_cast %add3A_213 : i32 to index
        %get3A_217 = arith.constant 48 : index
        %get3A_218 = tpu.vector_load %arg7[%get3A_215, %get3A_216, %get3A_217] {strides = array<i32>} : memref<2x104x64xf32, #tpu.memory_space<vmem>>, vector<1x1x16xf32>,
        %get3A_219 = vector.shape_cast %get3A_218 : vector<1x1x16xf32> to vector<16xf32>
        %add3A_220 = arith.addf %scan3A_183, %get3A_219 : vector<16xf32>
        %add3A_221 = arith.constant 0 : i32
        %add3A_222 = arith.addi %mul3A_185, %add3A_221 : i32
        %get3A_223 = arith.constant 1 : i32
        %get3A_224 = arith.index_cast %get3A_223 : i32 to index
        %get3A_225 = arith.index_cast %add3A_222 : i32 to index
        %get3A_226 = arith.constant 0 : index
        %get3A_227 = tpu.vector_load %arg8[%get3A_224, %get3A_225, %get3A_226] {strides = array<i32>} : memref<2x96x64xf32, #tpu.memory_space<vmem>>, vector<1x1x16xf32>,
        %get3A_228 = vector.shape_cast %get3A_227 : vector<1x1x16xf32> to vector<16xf32>
        %add3A_229 = arith.addf %add3A_193, %get3A_228 : vector<16xf32>
        %add3A_230 = arith.constant 0 : i32
        %add3A_231 = arith.addi %mul3A_185, %add3A_230 : i32
        %get3A_232 = arith.constant 1 : i32
        %get3A_233 = arith.index_cast %get3A_232 : i32 to index
        %get3A_234 = arith.index_cast %add3A_231 : i32 to index
        %get3A_235 = arith.constant 16 : index
        %get3A_236 = tpu.vector_load %arg8[%get3A_233, %get3A_234, %get3A_235] {strides = array<i32>} : memref<2x96x64xf32, #tpu.memory_space<vmem>>, vector<1x1x16xf32>,
        %get3A_237 = vector.shape_cast %get3A_236 : vector<1x1x16xf32> to vector<16xf32>
        %add3A_238 = arith.addf %add3A_202, %get3A_237 : vector<16xf32>
        %add3A_239 = arith.constant 0 : i32
        %add3A_240 = arith.addi %mul3A_185, %add3A_239 : i32
        %get3A_241 = arith.constant 1 : i32
        %get3A_242 = arith.index_cast %get3A_241 : i32 to index
        %get3A_243 = arith.index_cast %add3A_240 : i32 to index
        %get3A_244 = arith.constant 32 : index
        %get3A_245 = tpu.vector_load %arg8[%get3A_242, %get3A_243, %get3A_244] {strides = array<i32>} : memref<2x96x64xf32, #tpu.memory_space<vmem>>, vector<1x1x16xf32>,
        %get3A_246 = vector.shape_cast %get3A_245 : vector<1x1x16xf32> to vector<16xf32>
        %add3A_247 = arith.addf %add3A_211, %get3A_246 : vector<16xf32>
        %add3A_248 = arith.constant 0 : i32
        %add3A_249 = arith.addi %mul3A_185, %add3A_248 : i32
        %get3A_250 = arith.constant 1 : i32
        %get3A_251 = arith.index_cast %get3A_250 : i32 to index
        %get3A_252 = arith.index_cast %add3A_249 : i32 to index
        %get3A_253 = arith.constant 48 : index
        %get3A_254 = tpu.vector_load %arg8[%get3A_251, %get3A_252, %get3A_253] {strides = array<i32>} : memref<2x96x64xf32, #tpu.memory_space<vmem>>, vector<1x1x16xf32>,
        %get3A_255 = vector.shape_cast %get3A_254 : vector<1x1x16xf32> to vector<16xf32>
        %add3A_256 = arith.addf %add3A_220, %get3A_255 : vector<16xf32>
        %add3A_257 = arith.constant 1 : i32
        %add3A_258 = arith.addi %mul3A_185, %add3A_257 : i32
        %get3A_259 = arith.constant 1 : i32
        %get3A_260 = arith.index_cast %get3A_259 : i32 to index
        %get3A_261 = arith.index_cast %add3A_258 : i32 to index
        %get3A_262 = arith.constant 0 : index
        %get3A_263 = tpu.vector_load %arg7[%get3A_260, %get3A_261, %get3A_262] {strides = array<i32>} : memref<2x104x64xf32, #tpu.memory_space<vmem>>, vector<1x1x16xf32>,
        %get3A_264 = vector.shape_cast %get3A_263 : vector<1x1x16xf32> to vector<16xf32>
        %add3A_265 = arith.addf %add3A_229, %get3A_264 : vector<16xf32>
        %add3A_266 = arith.constant 1 : i32
        %add3A_267 = arith.addi %mul3A_185, %add3A_266 : i32
        %get3A_268 = arith.constant 1 : i32
        %get3A_269 = arith.index_cast %get3A_268 : i32 to index
        %get3A_270 = arith.index_cast %add3A_267 : i32 to index
        %get3A_271 = arith.constant 16 : index
        %get3A_272 = tpu.vector_load %arg7[%get3A_269, %get3A_270, %get3A_271] {strides = array<i32>} : memref<2x104x64xf32, #tpu.memory_space<vmem>>, vector<1x1x16xf32>,
        %get3A_273 = vector.shape_cast %get3A_272 : vector<1x1x16xf32> to vector<16xf32>
        %add3A_274 = arith.addf %add3A_238, %get3A_273 : vector<16xf32>
        %add3A_275 = arith.constant 1 : i32
        %add3A_276 = arith.addi %mul3A_185, %add3A_275 : i32
        %get3A_277 = arith.constant 1 : i32
        %get3A_278 = arith.index_cast %get3A_277 : i32 to index
        %get3A_279 = arith.index_cast %add3A_276 : i32 to index
        %get3A_280 = arith.constant 32 : index
        %get3A_281 = tpu.vector_load %arg7[%get3A_278, %get3A_279, %get3A_280] {strides = array<i32>} : memref<2x104x64xf32, #tpu.memory_space<vmem>>, vector<1x1x16xf32>,
        %get3A_282 = vector.shape_cast %get3A_281 : vector<1x1x16xf32> to vector<16xf32>
        %add3A_283 = arith.addf %add3A_247, %get3A_282 : vector<16xf32>
        %add3A_284 = arith.constant 1 : i32
        %add3A_285 = arith.addi %mul3A_185, %add3A_284 : i32
        %get3A_286 = arith.constant 1 : i32
        %get3A_287 = arith.index_cast %get3A_286 : i32 to index
        %get3A_288 = arith.index_cast %add3A_285 : i32 to index
        %get3A_289 = arith.constant 48 : index
        %get3A_290 = tpu.vector_load %arg7[%get3A_287, %get3A_288, %get3A_289] {strides = array<i32>} : memref<2x104x64xf32, #tpu.memory_space<vmem>>, vector<1x1x16xf32>,
        %get3A_291 = vector.shape_cast %get3A_290 : vector<1x1x16xf32> to vector<16xf32>
        %add3A_292 = arith.addf %add3A_256, %get3A_291 : vector<16xf32>
        %add3A_293 = arith.constant 1 : i32
        %add3A_294 = arith.addi %mul3A_185, %add3A_293 : i32
        %get3A_295 = arith.constant 1 : i32
        %get3A_296 = arith.index_cast %get3A_295 : i32 to index
        %get3A_297 = arith.index_cast %add3A_294 : i32 to index
        %get3A_298 = arith.constant 0 : index
        %get3A_299 = tpu.vector_load %arg8[%get3A_296, %get3A_297, %get3A_298] {strides = array<i32>} : memref<2x96x64xf32, #tpu.memory_space<vmem>>, vector<1x1x16xf32>,
        %get3A_300 = vector.shape_cast %get3A_299 : vector<1x1x16xf32> to vector<16xf32>
        %add3A_301 = arith.addf %add3A_265, %get3A_300 : vector<16xf32>
        %add3A_302 = arith.constant 1 : i32
        %add3A_303 = arith.addi %mul3A_185, %add3A_302 : i32
        %get3A_304 = arith.constant 1 : i32
        %get3A_305 = arith.index_cast %get3A_304 : i32 to index
        %get3A_306 = arith.index_cast %add3A_303 : i32 to index
        %get3A_307 = arith.constant 16 : index
        %get3A_308 = tpu.vector_load %arg8[%get3A_305, %get3A_306, %get3A_307] {strides = array<i32>} : memref<2x96x64xf32, #tpu.memory_space<vmem>>, vector<1x1x16xf32>,
        %get3A_309 = vector.shape_cast %get3A_308 : vector<1x1x16xf32> to vector<16xf32>
        %add3A_310 = arith.addf %add3A_274, %get3A_309 : vector<16xf32>
        %add3A_311 = arith.constant 1 : i32
        %add3A_312 = arith.addi %mul3A_185, %add3A_311 : i32
        %get3A_313 = arith.constant 1 : i32
        %get3A_314 = arith.index_cast %get3A_313 : i32 to index
        %get3A_315 = arith.index_cast %add3A_312 : i32 to index
        %get3A_316 = arith.constant 32 : index
        %get3A_317 = tpu.vector_load %arg8[%get3A_314, %get3A_315, %get3A_316] {strides = array<i32>} : memref<2x96x64xf32, #tpu.memory_space<vmem>>, vector<1x1x16xf32>,
        %get3A_318 = vector.shape_cast %get3A_317 : vector<1x1x16xf32> to vector<16xf32>
        %add3A_319 = arith.addf %add3A_283, %get3A_318 : vector<16xf32>
        %add3A_320 = arith.constant 1 : i32
        %add3A_321 = arith.addi %mul3A_185, %add3A_320 : i32
        %get3A_322 = arith.constant 1 : i32
        %get3A_323 = arith.index_cast %get3A_322 : i32 to index
        %get3A_324 = arith.index_cast %add3A_321 : i32 to index
        %get3A_325 = arith.constant 48 : index
        %get3A_326 = tpu.vector_load %arg8[%get3A_323, %get3A_324, %get3A_325] {strides = array<i32>} : memref<2x96x64xf32, #tpu.memory_space<vmem>>, vector<1x1x16xf32>,
        %get3A_327 = vector.shape_cast %get3A_326 : vector<1x1x16xf32> to vector<16xf32>
        %add3A_328 = arith.addf %add3A_292, %get3A_327 : vector<16xf32>
        %add3A_329 = arith.constant 2 : i32
        %add3A_330 = arith.addi %mul3A_185, %add3A_329 : i32
        %get3A_331 = arith.constant 1 : i32
        %get3A_332 = arith.index_cast %get3A_331 : i32 to index
        %get3A_333 = arith.index_cast %add3A_330 : i32 to index
        %get3A_334 = arith.constant 0 : index
        %get3A_335 = tpu.vector_load %arg7[%get3A_332, %get3A_333, %get3A_334] {strides = array<i32>} : memref<2x104x64xf32, #tpu.memory_space<vmem>>, vector<1x1x16xf32>,
        %get3A_336 = vector.shape_cast %get3A_335 : vector<1x1x16xf32> to vector<16xf32>
        %add3A_337 = arith.addf %add3A_301, %get3A_336 : vector<16xf32>
        %add3A_338 = arith.constant 2 : i32
        %add3A_339 = arith.addi %mul3A_185, %add3A_338 : i32
        %get3A_340 = arith.constant 1 : i32
        %get3A_341 = arith.index_cast %get3A_340 : i32 to index
        %get3A_342 = arith.index_cast %add3A_339 : i32 to index
        %get3A_343 = arith.constant 16 : index
        %get3A_344 = tpu.vector_load %arg7[%get3A_341, %get3A_342, %get3A_343] {strides = array<i32>} : memref<2x104x64xf32, #tpu.memory_space<vmem>>, vector<1x1x16xf32>,
        %get3A_345 = vector.shape_cast %get3A_344 : vector<1x1x16xf32> to vector<16xf32>
        %add3A_346 = arith.addf %add3A_310, %get3A_345 : vector<16xf32>
        %add3A_347 = arith.constant 2 : i32
        %add3A_348 = arith.addi %mul3A_185, %add3A_347 : i32
        %get3A_349 = arith.constant 1 : i32
        %get3A_350 = arith.index_cast %get3A_349 : i32 to index
        %get3A_351 = arith.index_cast %add3A_348 : i32 to index
        %get3A_352 = arith.constant 32 : index
        %get3A_353 = tpu.vector_load %arg7[%get3A_350, %get3A_351, %get3A_352] {strides = array<i32>} : memref<2x104x64xf32, #tpu.memory_space<vmem>>, vector<1x1x16xf32>,
        %get3A_354 = vector.shape_cast %get3A_353 : vector<1x1x16xf32> to vector<16xf32>
        %add3A_355 = arith.addf %add3A_319, %get3A_354 : vector<16xf32>
        %add3A_356 = arith.constant 2 : i32
        %add3A_357 = arith.addi %mul3A_185, %add3A_356 : i32
        %get3A_358 = arith.constant 1 : i32
        %get3A_359 = arith.index_cast %get3A_358 : i32 to index
        %get3A_360 = arith.index_cast %add3A_357 : i32 to index
        %get3A_361 = arith.constant 48 : index
        %get3A_362 = tpu.vector_load %arg7[%get3A_359, %get3A_360, %get3A_361] {strides = array<i32>} : memref<2x104x64xf32, #tpu.memory_space<vmem>>, vector<1x1x16xf32>,
        %get3A_363 = vector.shape_cast %get3A_362 : vector<1x1x16xf32> to vector<16xf32>
        %add3A_364 = arith.addf %add3A_328, %get3A_363 : vector<16xf32>
        %add3A_365 = arith.constant 2 : i32
        %add3A_366 = arith.addi %mul3A_185, %add3A_365 : i32
        %get3A_367 = arith.constant 1 : i32
        %get3A_368 = arith.index_cast %get3A_367 : i32 to index
        %get3A_369 = arith.index_cast %add3A_366 : i32 to index
        %get3A_370 = arith.constant 0 : index
        %get3A_371 = tpu.vector_load %arg8[%get3A_368, %get3A_369, %get3A_370] {strides = array<i32>} : memref<2x96x64xf32, #tpu.memory_space<vmem>>, vector<1x1x16xf32>,
        %get3A_372 = vector.shape_cast %get3A_371 : vector<1x1x16xf32> to vector<16xf32>
        %add3A_373 = arith.addf %add3A_337, %get3A_372 : vector<16xf32>
        %add3A_374 = arith.constant 2 : i32
        %add3A_375 = arith.addi %mul3A_185, %add3A_374 : i32
        %get3A_376 = arith.constant 1 : i32
        %get3A_377 = arith.index_cast %get3A_376 : i32 to index
        %get3A_378 = arith.index_cast %add3A_375 : i32 to index
        %get3A_379 = arith.constant 16 : index
        %get3A_380 = tpu.vector_load %arg8[%get3A_377, %get3A_378, %get3A_379] {strides = array<i32>} : memref<2x96x64xf32, #tpu.memory_space<vmem>>, vector<1x1x16xf32>,
        %get3A_381 = vector.shape_cast %get3A_380 : vector<1x1x16xf32> to vector<16xf32>
        %add3A_382 = arith.addf %add3A_346, %get3A_381 : vector<16xf32>
        %add3A_383 = arith.constant 2 : i32
        %add3A_384 = arith.addi %mul3A_185, %add3A_383 : i32
        %get3A_385 = arith.constant 1 : i32
        %get3A_386 = arith.index_cast %get3A_385 : i32 to index
        %get3A_387 = arith.index_cast %add3A_384 : i32 to index
        %get3A_388 = arith.constant 32 : index
        %get3A_389 = tpu.vector_load %arg8[%get3A_386, %get3A_387, %get3A_388] {strides = array<i32>} : memref<2x96x64xf32, #tpu.memory_space<vmem>>, vector<1x1x16xf32>,
        %get3A_390 = vector.shape_cast %get3A_389 : vector<1x1x16xf32> to vector<16xf32>
        %add3A_391 = arith.addf %add3A_355, %get3A_390 : vector<16xf32>
        %add3A_392 = arith.constant 2 : i32
        %add3A_393 = arith.addi %mul3A_185, %add3A_392 : i32
        %get3A_394 = arith.constant 1 : i32
        %get3A_395 = arith.index_cast %get3A_394 : i32 to index
        %get3A_396 = arith.index_cast %add3A_393 : i32 to index
        %get3A_397 = arith.constant 48 : index
        %get3A_398 = tpu.vector_load %arg8[%get3A_395, %get3A_396, %get3A_397] {strides = array<i32>} : memref<2x96x64xf32, #tpu.memory_space<vmem>>, vector<1x1x16xf32>,
        %get3A_399 = vector.shape_cast %get3A_398 : vector<1x1x16xf32> to vector<16xf32>
        %add3A_400 = arith.addf %add3A_364, %get3A_399 : vector<16xf32>
        %add3A_401 = arith.constant 3 : i32
        %add3A_402 = arith.addi %mul3A_185, %add3A_401 : i32
        %get3A_403 = arith.constant 1 : i32
        %get3A_404 = arith.index_cast %get3A_403 : i32 to index
        %get3A_405 = arith.index_cast %add3A_402 : i32 to index
        %get3A_406 = arith.constant 0 : index
        %get3A_407 = tpu.vector_load %arg7[%get3A_404, %get3A_405, %get3A_406] {strides = array<i32>} : memref<2x104x64xf32, #tpu.memory_space<vmem>>, vector<1x1x16xf32>,
        %get3A_408 = vector.shape_cast %get3A_407 : vector<1x1x16xf32> to vector<16xf32>
        %add3A_409 = arith.addf %add3A_373, %get3A_408 : vector<16xf32>
        %add3A_410 = arith.constant 3 : i32
        %add3A_411 = arith.addi %mul3A_185, %add3A_410 : i32
        %get3A_412 = arith.constant 1 : i32
        %get3A_413 = arith.index_cast %get3A_412 : i32 to index
        %get3A_414 = arith.index_cast %add3A_411 : i32 to index
        %get3A_415 = arith.constant 16 : index
        %get3A_416 = tpu.vector_load %arg7[%get3A_413, %get3A_414, %get3A_415] {strides = array<i32>} : memref<2x104x64xf32, #tpu.memory_space<vmem>>, vector<1x1x16xf32>,
        %get3A_417 = vector.shape_cast %get3A_416 : vector<1x1x16xf32> to vector<16xf32>
        %add3A_418 = arith.addf %add3A_382, %get3A_417 : vector<16xf32>
        %add3A_419 = arith.constant 3 : i32
        %add3A_420 = arith.addi %mul3A_185, %add3A_419 : i32
        %get3A_421 = arith.constant 1 : i32
        %get3A_422 = arith.index_cast %get3A_421 : i32 to index
        %get3A_423 = arith.index_cast %add3A_420 : i32 to index
        %get3A_424 = arith.constant 32 : index
        %get3A_425 = tpu.vector_load %arg7[%get3A_422, %get3A_423, %get3A_424] {strides = array<i32>} : memref<2x104x64xf32, #tpu.memory_space<vmem>>, vector<1x1x16xf32>,
        %get3A_426 = vector.shape_cast %get3A_425 : vector<1x1x16xf32> to vector<16xf32>
        %add3A_427 = arith.addf %add3A_391, %get3A_426 : vector<16xf32>
        %add3A_428 = arith.constant 3 : i32
        %add3A_429 = arith.addi %mul3A_185, %add3A_428 : i32
        %get3A_430 = arith.constant 1 : i32
        %get3A_431 = arith.index_cast %get3A_430 : i32 to index
        %get3A_432 = arith.index_cast %add3A_429 : i32 to index
        %get3A_433 = arith.constant 48 : index
        %get3A_434 = tpu.vector_load %arg7[%get3A_431, %get3A_432, %get3A_433] {strides = array<i32>} : memref<2x104x64xf32, #tpu.memory_space<vmem>>, vector<1x1x16xf32>,
        %get3A_435 = vector.shape_cast %get3A_434 : vector<1x1x16xf32> to vector<16xf32>
        %add3A_436 = arith.addf %add3A_400, %get3A_435 : vector<16xf32>
        %add3A_437 = arith.constant 3 : i32
        %add3A_438 = arith.addi %mul3A_185, %add3A_437 : i32
        %get3A_439 = arith.constant 1 : i32
        %get3A_440 = arith.index_cast %get3A_439 : i32 to index
        %get3A_441 = arith.index_cast %add3A_438 : i32 to index
        %get3A_442 = arith.constant 0 : index
        %get3A_443 = tpu.vector_load %arg8[%get3A_440, %get3A_441, %get3A_442] {strides = array<i32>} : memref<2x96x64xf32, #tpu.memory_space<vmem>>, vector<1x1x16xf32>,
        %get3A_444 = vector.shape_cast %get3A_443 : vector<1x1x16xf32> to vector<16xf32>
        %add3A_445 = arith.addf %add3A_409, %get3A_444 : vector<16xf32>
        %add3A_446 = arith.constant 3 : i32
        %add3A_447 = arith.addi %mul3A_185, %add3A_446 : i32
        %get3A_448 = arith.constant 1 : i32
        %get3A_449 = arith.index_cast %get3A_448 : i32 to index
        %get3A_450 = arith.index_cast %add3A_447 : i32 to index
        %get3A_451 = arith.constant 16 : index
        %get3A_452 = tpu.vector_load %arg8[%get3A_449, %get3A_450, %get3A_451] {strides = array<i32>} : memref<2x96x64xf32, #tpu.memory_space<vmem>>, vector<1x1x16xf32>,
        %get3A_453 = vector.shape_cast %get3A_452 : vector<1x1x16xf32> to vector<16xf32>
        %add3A_454 = arith.addf %add3A_418, %get3A_453 : vector<16xf32>
        %add3A_455 = arith.constant 3 : i32
        %add3A_456 = arith.addi %mul3A_185, %add3A_455 : i32
        %get3A_457 = arith.constant 1 : i32
        %get3A_458 = arith.index_cast %get3A_457 : i32 to index
        %get3A_459 = arith.index_cast %add3A_456 : i32 to index
        %get3A_460 = arith.constant 32 : index
        %get3A_461 = tpu.vector_load %arg8[%get3A_458, %get3A_459, %get3A_460] {strides = array<i32>} : memref<2x96x64xf32, #tpu.memory_space<vmem>>, vector<1x1x16xf32>,
        %get3A_462 = vector.shape_cast %get3A_461 : vector<1x1x16xf32> to vector<16xf32>
        %add3A_463 = arith.addf %add3A_427, %get3A_462 : vector<16xf32>
        %add3A_464 = arith.constant 3 : i32
        %add3A_465 = arith.addi %mul3A_185, %add3A_464 : i32
        %get3A_466 = arith.constant 1 : i32
        %get3A_467 = arith.index_cast %get3A_466 : i32 to index
        %get3A_468 = arith.index_cast %add3A_465 : i32 to index
        %get3A_469 = arith.constant 48 : index
        %get3A_470 = tpu.vector_load %arg8[%get3A_467, %get3A_468, %get3A_469] {strides = array<i32>} : memref<2x96x64xf32, #tpu.memory_space<vmem>>, vector<1x1x16xf32>,
        %get3A_471 = vector.shape_cast %get3A_470 : vector<1x1x16xf32> to vector<16xf32>
        %add3A_472 = arith.addf %add3A_436, %get3A_471 : vector<16xf32>
        scf.yield %add3A_445, %add3A_454, %add3A_463, %add3A_472 : vector<16xf32>, vector<16xf32>, vector<16xf32>, vector<16xf32>
      }
      %scan3A_152 = arith.constant 24 : i32
      %scan3A_153 = arith.constant 0 : i32
      %scan3A_154 = arith.constant 2 : i32
      %scan3A_155 = arith.addi %scan3A_153, %scan3A_154 : i32
      %scan3A_156 = arith.constant 1 : i32
      %scan3A_157:4 = scf.for %scan3A_179 = %scan3A_153 to %scan3A_155 step %scan3A_156 iter_args(%scan3A_180 = %scan3A_151#0, %scan3A_181 = %scan3A_151#1, %scan3A_182 = %scan3A_151#2, %scan3A_183 = %scan3A_151#3) -> (vector<16xf32>, vector<16xf32>, vector<16xf32>, vector<16xf32>)  : i32 {
        %mul3A_184 = arith.constant 4 : i32
        %mul3A_185 = arith.muli %scan3A_179, %mul3A_184 : i32
        %add3A_186 = arith.constant 96 : i32
        %add3A_187 = arith.addi %add3A_186, %mul3A_185 : i32
        %add3A_188 = arith.constant 0 : i32
        %add3A_189 = arith.addi %add3A_187, %add3A_188 : i32
        %get3A = arith.constant 1 : i32
        %get3A_190 = arith.index_cast %get3A : i32 to index
        %get3A_191 = arith.index_cast %add3A_189 : i32 to index
        %get3A_192 = arith.constant 0 : index
        %get3A_193 = tpu.vector_load %arg7[%get3A_190, %get3A_191, %get3A_192] {strides = array<i32>} : memref<2x104x64xf32, #tpu.memory_space<vmem>>, vector<1x1x16xf32>,
        %get3A_194 = vector.shape_cast %get3A_193 : vector<1x1x16xf32> to vector<16xf32>
        %add3A_195 = arith.addf %scan3A_180, %get3A_194 : vector<16xf32>
        %add3A_196 = arith.constant 0 : i32
        %add3A_197 = arith.addi %add3A_187, %add3A_196 : i32
        %get3A_198 = arith.constant 1 : i32
        %get3A_199 = arith.index_cast %get3A_198 : i32 to index
        %get3A_200 = arith.index_cast %add3A_197 : i32 to index
        %get3A_201 = arith.constant 16 : index
        %get3A_202 = tpu.vector_load %arg7[%get3A_199, %get3A_200, %get3A_201] {strides = array<i32>} : memref<2x104x64xf32, #tpu.memory_space<vmem>>, vector<1x1x16xf32>,
        %get3A_203 = vector.shape_cast %get3A_202 : vector<1x1x16xf32> to vector<16xf32>
        %add3A_204 = arith.addf %scan3A_181, %get3A_203 : vector<16xf32>
        %add3A_205 = arith.constant 0 : i32
        %add3A_206 = arith.addi %add3A_187, %add3A_205 : i32
        %get3A_207 = arith.constant 1 : i32
        %get3A_208 = arith.index_cast %get3A_207 : i32 to index
        %get3A_209 = arith.index_cast %add3A_206 : i32 to index
        %get3A_210 = arith.constant 32 : index
        %get3A_211 = tpu.vector_load %arg7[%get3A_208, %get3A_209, %get3A_210] {strides = array<i32>} : memref<2x104x64xf32, #tpu.memory_space<vmem>>, vector<1x1x16xf32>,
        %get3A_212 = vector.shape_cast %get3A_211 : vector<1x1x16xf32> to vector<16xf32>
        %add3A_213 = arith.addf %scan3A_182, %get3A_212 : vector<16xf32>
        %add3A_214 = arith.constant 0 : i32
        %add3A_215 = arith.addi %add3A_187, %add3A_214 : i32
        %get3A_216 = arith.constant 1 : i32
        %get3A_217 = arith.index_cast %get3A_216 : i32 to index
        %get3A_218 = arith.index_cast %add3A_215 : i32 to index
        %get3A_219 = arith.constant 48 : index
        %get3A_220 = tpu.vector_load %arg7[%get3A_217, %get3A_218, %get3A_219] {strides = array<i32>} : memref<2x104x64xf32, #tpu.memory_space<vmem>>, vector<1x1x16xf32>,
        %get3A_221 = vector.shape_cast %get3A_220 : vector<1x1x16xf32> to vector<16xf32>
        %add3A_222 = arith.addf %scan3A_183, %get3A_221 : vector<16xf32>
        %add3A_223 = arith.constant 1 : i32
        %add3A_224 = arith.addi %add3A_187, %add3A_223 : i32
        %get3A_225 = arith.constant 1 : i32
        %get3A_226 = arith.index_cast %get3A_225 : i32 to index
        %get3A_227 = arith.index_cast %add3A_224 : i32 to index
        %get3A_228 = arith.constant 0 : index
        %get3A_229 = tpu.vector_load %arg7[%get3A_226, %get3A_227, %get3A_228] {strides = array<i32>} : memref<2x104x64xf32, #tpu.memory_space<vmem>>, vector<1x1x16xf32>,
        %get3A_230 = vector.shape_cast %get3A_229 : vector<1x1x16xf32> to vector<16xf32>
        %add3A_231 = arith.addf %add3A_195, %get3A_230 : vector<16xf32>
        %add3A_232 = arith.constant 1 : i32
        %add3A_233 = arith.addi %add3A_187, %add3A_232 : i32
        %get3A_234 = arith.constant 1 : i32
        %get3A_235 = arith.index_cast %get3A_234 : i32 to index
        %get3A_236 = arith.index_cast %add3A_233 : i32 to index
        %get3A_237 = arith.constant 16 : index
        %get3A_238 = tpu.vector_load %arg7[%get3A_235, %get3A_236, %get3A_237] {strides = array<i32>} : memref<2x104x64xf32, #tpu.memory_space<vmem>>, vector<1x1x16xf32>,
        %get3A_239 = vector.shape_cast %get3A_238 : vector<1x1x16xf32> to vector<16xf32>
        %add3A_240 = arith.addf %add3A_204, %get3A_239 : vector<16xf32>
        %add3A_241 = arith.constant 1 : i32
        %add3A_242 = arith.addi %add3A_187, %add3A_241 : i32
        %get3A_243 = arith.constant 1 : i32
        %get3A_244 = arith.index_cast %get3A_243 : i32 to index
        %get3A_245 = arith.index_cast %add3A_242 : i32 to index
        %get3A_246 = arith.constant 32 : index
        %get3A_247 = tpu.vector_load %arg7[%get3A_244, %get3A_245, %get3A_246] {strides = array<i32>} : memref<2x104x64xf32, #tpu.memory_space<vmem>>, vector<1x1x16xf32>,
        %get3A_248 = vector.shape_cast %get3A_247 : vector<1x1x16xf32> to vector<16xf32>
        %add3A_249 = arith.addf %add3A_213, %get3A_248 : vector<16xf32>
        %add3A_250 = arith.constant 1 : i32
        %add3A_251 = arith.addi %add3A_187, %add3A_250 : i32
        %get3A_252 = arith.constant 1 : i32
        %get3A_253 = arith.index_cast %get3A_252 : i32 to index
        %get3A_254 = arith.index_cast %add3A_251 : i32 to index
        %get3A_255 = arith.constant 48 : index
        %get3A_256 = tpu.vector_load %arg7[%get3A_253, %get3A_254, %get3A_255] {strides = array<i32>} : memref<2x104x64xf32, #tpu.memory_space<vmem>>, vector<1x1x16xf32>,
        %get3A_257 = vector.shape_cast %get3A_256 : vector<1x1x16xf32> to vector<16xf32>
        %add3A_258 = arith.addf %add3A_222, %get3A_257 : vector<16xf32>
        %add3A_259 = arith.constant 2 : i32
        %add3A_260 = arith.addi %add3A_187, %add3A_259 : i32
        %get3A_261 = arith.constant 1 : i32
        %get3A_262 = arith.index_cast %get3A_261 : i32 to index
        %get3A_263 = arith.index_cast %add3A_260 : i32 to index
        %get3A_264 = arith.constant 0 : index
        %get3A_265 = tpu.vector_load %arg7[%get3A_262, %get3A_263, %get3A_264] {strides = array<i32>} : memref<2x104x64xf32, #tpu.memory_space<vmem>>, vector<1x1x16xf32>,
        %get3A_266 = vector.shape_cast %get3A_265 : vector<1x1x16xf32> to vector<16xf32>
        %add3A_267 = arith.addf %add3A_231, %get3A_266 : vector<16xf32>
        %add3A_268 = arith.constant 2 : i32
        %add3A_269 = arith.addi %add3A_187, %add3A_268 : i32
        %get3A_270 = arith.constant 1 : i32
        %get3A_271 = arith.index_cast %get3A_270 : i32 to index
        %get3A_272 = arith.index_cast %add3A_269 : i32 to index
        %get3A_273 = arith.constant 16 : index
        %get3A_274 = tpu.vector_load %arg7[%get3A_271, %get3A_272, %get3A_273] {strides = array<i32>} : memref<2x104x64xf32, #tpu.memory_space<vmem>>, vector<1x1x16xf32>,
        %get3A_275 = vector.shape_cast %get3A_274 : vector<1x1x16xf32> to vector<16xf32>
        %add3A_276 = arith.addf %add3A_240, %get3A_275 : vector<16xf32>
        %add3A_277 = arith.constant 2 : i32
        %add3A_278 = arith.addi %add3A_187, %add3A_277 : i32
        %get3A_279 = arith.constant 1 : i32
        %get3A_280 = arith.index_cast %get3A_279 : i32 to index
        %get3A_281 = arith.index_cast %add3A_278 : i32 to index
        %get3A_282 = arith.constant 32 : index
        %get3A_283 = tpu.vector_load %arg7[%get3A_280, %get3A_281, %get3A_282] {strides = array<i32>} : memref<2x104x64xf32, #tpu.memory_space<vmem>>, vector<1x1x16xf32>,
        %get3A_284 = vector.shape_cast %get3A_283 : vector<1x1x16xf32> to vector<16xf32>
        %add3A_285 = arith.addf %add3A_249, %get3A_284 : vector<16xf32>
        %add3A_286 = arith.constant 2 : i32
        %add3A_287 = arith.addi %add3A_187, %add3A_286 : i32
        %get3A_288 = arith.constant 1 : i32
        %get3A_289 = arith.index_cast %get3A_288 : i32 to index
        %get3A_290 = arith.index_cast %add3A_287 : i32 to index
        %get3A_291 = arith.constant 48 : index
        %get3A_292 = tpu.vector_load %arg7[%get3A_289, %get3A_290, %get3A_291] {strides = array<i32>} : memref<2x104x64xf32, #tpu.memory_space<vmem>>, vector<1x1x16xf32>,
        %get3A_293 = vector.shape_cast %get3A_292 : vector<1x1x16xf32> to vector<16xf32>
        %add3A_294 = arith.addf %add3A_258, %get3A_293 : vector<16xf32>
        %add3A_295 = arith.constant 3 : i32
        %add3A_296 = arith.addi %add3A_187, %add3A_295 : i32
        %get3A_297 = arith.constant 1 : i32
        %get3A_298 = arith.index_cast %get3A_297 : i32 to index
        %get3A_299 = arith.index_cast %add3A_296 : i32 to index
        %get3A_300 = arith.constant 0 : index
        %get3A_301 = tpu.vector_load %arg7[%get3A_298, %get3A_299, %get3A_300] {strides = array<i32>} : memref<2x104x64xf32, #tpu.memory_space<vmem>>, vector<1x1x16xf32>,
        %get3A_302 = vector.shape_cast %get3A_301 : vector<1x1x16xf32> to vector<16xf32>
        %add3A_303 = arith.addf %add3A_267, %get3A_302 : vector<16xf32>
        %add3A_304 = arith.constant 3 : i32
        %add3A_305 = arith.addi %add3A_187, %add3A_304 : i32
        %get3A_306 = arith.constant 1 : i32
        %get3A_307 = arith.index_cast %get3A_306 : i32 to index
        %get3A_308 = arith.index_cast %add3A_305 : i32 to index
        %get3A_309 = arith.constant 16 : index
        %get3A_310 = tpu.vector_load %arg7[%get3A_307, %get3A_308, %get3A_309] {strides = array<i32>} : memref<2x104x64xf32, #tpu.memory_space<vmem>>, vector<1x1x16xf32>,
        %get3A_311 = vector.shape_cast %get3A_310 : vector<1x1x16xf32> to vector<16xf32>
        %add3A_312 = arith.addf %add3A_276, %get3A_311 : vector<16xf32>
        %add3A_313 = arith.constant 3 : i32
        %add3A_314 = arith.addi %add3A_187, %add3A_313 : i32
        %get3A_315 = arith.constant 1 : i32
        %get3A_316 = arith.index_cast %get3A_315 : i32 to index
        %get3A_317 = arith.index_cast %add3A_314 : i32 to index
        %get3A_318 = arith.constant 32 : index
        %get3A_319 = tpu.vector_load %arg7[%get3A_316, %get3A_317, %get3A_318] {strides = array<i32>} : memref<2x104x64xf32, #tpu.memory_space<vmem>>, vector<1x1x16xf32>,
        %get3A_320 = vector.shape_cast %get3A_319 : vector<1x1x16xf32> to vector<16xf32>
        %add3A_321 = arith.addf %add3A_285, %get3A_320 : vector<16xf32>
        %add3A_322 = arith.constant 3 : i32
        %add3A_323 = arith.addi %add3A_187, %add3A_322 : i32
        %get3A_324 = arith.constant 1 : i32
        %get3A_325 = arith.index_cast %get3A_324 : i32 to index
        %get3A_326 = arith.index_cast %add3A_323 : i32 to index
        %get3A_327 = arith.constant 48 : index
        %get3A_328 = tpu.vector_load %arg7[%get3A_325, %get3A_326, %get3A_327] {strides = array<i32>} : memref<2x104x64xf32, #tpu.memory_space<vmem>>, vector<1x1x16xf32>,
        %get3A_329 = vector.shape_cast %get3A_328 : vector<1x1x16xf32> to vector<16xf32>
        %add3A_330 = arith.addf %add3A_294, %get3A_329 : vector<16xf32>
        scf.yield %add3A_303, %add3A_312, %add3A_321, %add3A_330 : vector<16xf32>, vector<16xf32>, vector<16xf32>, vector<16xf32>
      }
      %scan3A_158 = arith.constant 2 : i32
      %swap3A_159 = arith.index_cast %add3A_42 : i32 to index
      %swap3A_160 = arith.constant 0 : index
      %swap3A_161 = tpu.vector_load %arg9[%swap3A_159, %swap3A_160] {strides = array<i32>} : memref<128x64xf32, #tpu.memory_space<vmem>>, vector<1x16xf32>,
      %swap3A_162 = vector.shape_cast %swap3A_161 : vector<1x16xf32> to vector<16xf32>
      %swap3A_163 = vector.shape_cast %scan3A_157#0 : vector<16xf32> to vector<1x16xf32>
      tpu.vector_store %arg9[%swap3A_159, %swap3A_160], %swap3A_163 {strides = array<i32>} : memref<128x64xf32, #tpu.memory_space<vmem>>, vector<1x16xf32>,
      %swap3A_164 = arith.index_cast %add3A_42 : i32 to index
      %swap3A_165 = arith.constant 16 : index
      %swap3A_166 = tpu.vector_load %arg9[%swap3A_164, %swap3A_165] {strides = array<i32>} : memref<128x64xf32, #tpu.memory_space<vmem>>, vector<1x16xf32>,
      %swap3A_167 = vector.shape_cast %swap3A_166 : vector<1x16xf32> to vector<16xf32>
      %swap3A_168 = vector.shape_cast %scan3A_157#1 : vector<16xf32> to vector<1x16xf32>
      tpu.vector_store %arg9[%swap3A_164, %swap3A_165], %swap3A_168 {strides = array<i32>} : memref<128x64xf32, #tpu.memory_space<vmem>>, vector<1x16xf32>,
      %swap3A_169 = arith.index_cast %add3A_42 : i32 to index
      %swap3A_170 = arith.constant 32 : index
      %swap3A_171 = tpu.vector_load %arg9[%swap3A_169, %swap3A_170] {strides = array<i32>} : memref<128x64xf32, #tpu.memory_space<vmem>>, vector<1x16xf32>,
      %swap3A_172 = vector.shape_cast %swap3A_171 : vector<1x16xf32> to vector<16xf32>
      %swap3A_173 = vector.shape_cast %scan3A_157#2 : vector<16xf32> to vector<1x16xf32>
      tpu.vector_store %arg9[%swap3A_169, %swap3A_170], %swap3A_173 {strides = array<i32>} : memref<128x64xf32, #tpu.memory_space<vmem>>, vector<1x16xf32>,
      %swap3A_174 = arith.index_cast %add3A_42 : i32 to index
      %swap3A_175 = arith.constant 48 : index
      %swap3A_176 = tpu.vector_load %arg9[%swap3A_174, %swap3A_175] {strides = array<i32>} : memref<128x64xf32, #tpu.memory_space<vmem>>, vector<1x16xf32>,
      %swap3A_177 = vector.shape_cast %swap3A_176 : vector<1x16xf32> to vector<16xf32>
      %swap3A_178 = vector.shape_cast %scan3A_157#3 : vector<16xf32> to vector<1x16xf32>
      tpu.vector_store %arg9[%swap3A_174, %swap3A_175], %swap3A_178 {strides = array<i32>} : memref<128x64xf32, #tpu.memory_space<vmem>>, vector<1x16xf32>,
    }
    %scan3A_33 = arith.constant 64 : i32
    %mul3A_34 = arith.constant 128 : i32
    %mul3A_35 = arith.muli %add3A, %mul3A_34 : i32
    "tpu.region"() ({
      %run_scoped3A = tpu.sem_alloc : memref<!tpu.dma_semaphore, #tpu.memory_space<semaphore_mem>>
      %dma_start3A_36 = arith.constant 0 : i32
      %dma_start3A_37 = tpu.memref_slice %arg4[%mul3A_35, %dma_start3A_36] : memref<4096x64xf32, #tpu.memory_space<hbm>> -> memref<128x64xf32, #tpu.memory_space<hbm>>
      %dma_start3A_38 = arith.constant 0 : i32
      %dma_start3A_39 = tpu.memref_slice %arg4[%mul3A_35, %dma_start3A_38] : memref<4096x64xf32, #tpu.memory_space<hbm>> -> memref<128x64xf32, #tpu.memory_space<hbm>>
      tpu.enqueue_dma source(%arg9 : memref<128x64xf32, #tpu.memory_space<vmem>>) target(%dma_start3A_39 : memref<128x64xf32, #tpu.memory_space<hbm>>) target_semaphore(%run_scoped3A : memref<!tpu.dma_semaphore, #tpu.memory_space<semaphore_mem>>)
      %dma_wait3A = arith.constant 0 : i32
      %dma_wait3A_40 = tpu.memref_slice %arg4[%mul3A_35, %dma_wait3A] : memref<4096x64xf32, #tpu.memory_space<hbm>> -> memref<128x64xf32, #tpu.memory_space<hbm>>
      %dma_wait3A_41 = arith.constant 0 : i32
      %dma_wait3A_42 = tpu.memref_slice %arg4[%mul3A_35, %dma_wait3A_41] : memref<4096x64xf32, #tpu.memory_space<hbm>> -> memref<128x64xf32, #tpu.memory_space<hbm>>
      tpu.wait_dma2 semaphore(%run_scoped3A : memref<!tpu.dma_semaphore, #tpu.memory_space<semaphore_mem>>) src(%arg9 : memref<128x64xf32, #tpu.memory_space<vmem>>) dst(%dma_wait3A_42 : memref<128x64xf32, #tpu.memory_space<hbm>>)
      tpu.yield
    }) : () -> ()
    return
  }
}

</mosaic_0001>

<sc_bundles>
// kernel: _sc_pool.3.cloned.1.call-start
scs
__scs_entry_jumppad:
0x0: {  	(pc) =	sbr.rel $0x88, $3  }
0x1: {  	(tag) =	ssettag $0x0;
	lr =	simm.s32 $0x1  }
0x2: {  	[smem:$0x3F9F] =	sst lr;
	_ =	strace $0xD0000000  }
0x3: {  	_ = 	snop  }
0x4: {  	_ = 	snop  }
0x5: {  	_ = 	snop  }
0x6: {  	_ = 	snop  }
0x7: {  	_ = 	snop  }
__scs_overlays_trampoline_lowered:
0x8: {  	[smem:$0x3FAE] =	sst s0  }
0x9: {  	[smem:$0x3FAF] =	sst s1  }
0xa: {  	[smem:$0x3FB0] =	sst s2  }
0xb: {  	[smem:$0x3FB1] =	sst s3  }
0xc: {  	[smem:$0x3FB2] =	sst s4  }
0xd: {  	[smem:$0x3FB3] =	sst s5  }
0xe: {  	[smem:$0x3FB4] =	sst s6  }
0xf: {  	[smem:$0x3FB5] =	sst s7  }
0x10: {  	[smem:$0x3FB6] =	sst s8  }
0x11: {  	[smem:$0x3FB7] =	sst s9;
	s0 =	simm.s32 @!p0 $0x0  }
0x12: {  	s1 =	sld [smem:$0x3F9D];
	s0 =	simm.s32 @p0 $0x1  }
0x13: {  	[smem:$0x3FB8] =	sst s0;
	s0 =	simm.s32 @!p1 $0x0  }
0x14: {  	s2 =	sld [smem:$0x3F9C];
	s0 =	simm.s32 @p1 $0x1  }
0x15: {  	[smem:$0x3FB9] =	sst s0;
	s0 =	simm.s32 @!p2 $0x0  }
0x16: {  	s3 =	sld [smem:$0x3FDB];
	s0 =	simm.s32 @p2 $0x1  }
0x17: {  	s4 =	simm.s32 $0x1BF5;
	[smem:$0x3FBB] =	sst s0  }
0x18: {  	s0 =	sld [smem:$0x3F9E];
	_ =	swait.ge [sflag:s4], $0x0  }
0x19: {  	s7 =	sld [smem:$0x3F9F]  }
0x1a: {  	s8 =	sadd.s32 $0xFFFFE003, lr  }
0x1b: {  	s9 =	sadd.s32 $0xFFFFFEF7, lr;
	s5 =	simm.s32 $0xFFFFFFFF;
	p2 =	slt.u32 s8, $0xFFFFF086  }
0x1c: {  	p1 =	slt.u32 s9, $0xF7A;
	s5 =	simm.s32 @!p2 $0x0  }
0x1d: {  	s5 =	simm.s32 @p1 $0x1;
	p0 =	seq.s32 s7, s2  }
0x1e: {  	s7 =	smul.u32 @!p0 $0xF7A, s2;
	p2 =	seq.s32 @!p0 s5, $0x0  }
0x1f: {  	s9 =	smul.u32 $0xF7A, s1;
	s8 =	simm.s32 @!p0 $0x1BF5;
	p2 =	por !p2, p0  }
0x20: {  	[sflag:s8] =	ssyncset.s32 @!p0 $0xFFFFF086;
	s6 =	sadd.s32 @!p0 s3, s7;
	s7 =	simm.s32 @!p0 $0x108  }
0x21: {  	s3 =	sadd.s32 s3, s9;
	s6 =	sadd.s32 @!p0 $0x88, s6;
	s7 =	simm.s32 @p2 $0x1082  }
0x22: {  	[simem:s7], [sflag:s8] =	dma.local @!p0 [hbm:s6], $0xF7A  }
0x23: {  	s9 =	sor.u32 $0xD0000000, s2;
	s6 =	simm.s32 $0x108;
	_ =	swait.ge @!p0 [sflag:s8], $0x0  }
0x24: {  	s3 =	sadd.s32 $0x88, s3;
	s6 =	simm.s32 @!p1 $0x1082;
	[sflag:s4] =	ssyncset.s32 $0xFFFFF086  }
0x25: {  	[simem:s6], [sflag:s4] =	dma.local [hbm:s3], $0xF7A  }
0x26: {  	[smem:$0x3F9F] =	sst s1;
	(tag) =	ssettag s2;
	_ =	strace s9  }
0x27: {  	s1 =	sld [smem:$0x3FAF]  }
0x28: {  	s2 =	sld [smem:$0x3FB0]  }
0x29: {  	s4 =	sld [smem:$0x3FB2]  }
0x2a: {  	p0 =	seq.s32 s5, $0x0;
	s5 =	sld [smem:$0x3FB3]  }
0x2b: {  	s6 =	sld [smem:$0x3FB4]  }
0x2c: {  	s7 =	sld [smem:$0x3FB5]  }
0x2d: {  	s3 =	simm.s32 $0x108;
	s8 =	sld [smem:$0x3FB6]  }
0x2e: {  	s3 =	simm.s32 @!p0 $0x1082;
	s9 =	sld [smem:$0x3FB7]  }
0x2f: {  	lr =	sadd.s32 s0, s3;
	s0 =	sld [smem:$0x3FAE]  }
0x30: {  	s3 =	sld [smem:$0x3FB1]  }
0x31: {  	[smem:$0x3FBA] =	sst s10  }
0x32: {  	s10 =	sld [smem:$0x3FB8];
	_ =	sdelay $0x3  }
0x33: {  	p0 =	seq.s32 s10, $0x1;
	s10 =	sld [smem:$0x3FBA];
	_ =	sdelay $0x3  }
0x34: {  	[smem:$0x3FBA] =	sst s10  }
0x35: {  	s10 =	sld [smem:$0x3FB9];
	_ =	sdelay $0x3  }
0x36: {  	p1 =	seq.s32 s10, $0x1;
	s10 =	sld [smem:$0x3FBA];
	_ =	sdelay $0x3  }
0x37: {  	[smem:$0x3FBA] =	sst s10  }
0x38: {  	s10 =	sld [smem:$0x3FBB]  }
0x39: {  	_ = 	snop;
	(pc) =	sbr.ind lr, $3  }
0x3a: {  	_ = 	snop  }
0x3b: {  	_ = 	snop  }
0x3c: {  	p2 =	seq.s32 s10, $0x1;
	s10 =	sld [smem:$0x3FBA]  }
0x3d: {  	_ =	shalt  }
0x3e: {  	_ =	shalt  }
0x3f: {  	_ =	shalt  }
0x40: {  	_ =	shalt  }
0x41: {  	_ =	shalt  }
0x42: {  	_ =	shalt  }
0x43: {  	_ =	shalt  }
0x44: {  	_ =	shalt  }
0x45: {  	_ =	shalt  }
0x46: {  	_ =	shalt  }
0x47: {  	_ =	shalt  }
0x48: {  	_ =	shalt  }
0x49: {  	_ =	shalt  }
0x4a: {  	_ =	shalt  }
0x4b: {  	_ =	shalt  }
0x4c: {  	_ =	shalt  }
0x4d: {  	_ =	shalt  }
0x4e: {  	_ =	shalt  }
0x4f: {  	_ =	shalt  }
0x50: {  	_ =	shalt  }
0x51: {  	_ =	shalt  }
0x52: {  	_ =	shalt  }
0x53: {  	_ =	shalt  }
0x54: {  	_ =	shalt  }
0x55: {  	_ =	shalt  }
0x56: {  	_ =	shalt  }
0x57: {  	_ =	shalt  }
0x58: {  	_ =	shalt  }
0x59: {  	_ =	shalt  }
0x5a: {  	_ =	shalt  }
0x5b: {  	_ =	shalt  }
0x5c: {  	_ =	shalt  }
0x5d: {  	_ =	shalt  }
0x5e: {  	_ =	shalt  }
0x5f: {  	_ =	shalt  }
0x60: {  	_ =	shalt  }
0x61: {  	_ =	shalt  }
0x62: {  	_ =	shalt  }
0x63: {  	_ =	shalt  }
0x64: {  	_ =	shalt  }
0x65: {  	_ =	shalt  }
0x66: {  	_ =	shalt  }
0x67: {  	_ =	shalt  }
0x68: {  	_ =	shalt  }
0x69: {  	_ =	shalt  }
0x6a: {  	_ =	shalt  }
0x6b: {  	_ =	shalt  }
0x6c: {  	_ =	shalt  }
0x6d: {  	_ =	shalt  }
0x6e: {  	_ =	shalt  }
0x6f: {  	_ =	shalt  }
0x70: {  	_ =	shalt  }
0x71: {  	_ =	shalt  }
0x72: {  	_ =	shalt  }
0x73: {  	_ =	shalt  }
0x74: {  	_ =	shalt  }
0x75: {  	_ =	shalt  }
0x76: {  	_ =	shalt  }
0x77: {  	_ =	shalt  }
0x78: {  	_ =	shalt  }
0x79: {  	_ =	shalt  }
0x7a: {  	_ =	shalt  }
0x7b: {  	_ =	shalt  }
0x7c: {  	_ =	shalt  }
0x7d: {  	_ =	shalt  }
0x7e: {  	_ =	shalt  }
0x7f: {  	_ =	shalt  }
0x80: {  	_ =	shalt  }
0x81: {  	_ =	shalt  }
0x82: {  	_ =	shalt  }
0x83: {  	_ =	shalt  }
0x84: {  	_ =	shalt  }
0x85: {  	_ =	shalt  }
0x86: {  	_ =	shalt  }
0x87: {  	_ =	shalt  }
.Lfunc_end0:
.L_simem_size_0:
called_computation_lowered:
.L_overlay_start_0:
0x88: {  	s2 =	sld [smem:$0x3FD9]  }
0x89: {  	s3 =	sld [smem:$0x3FFE];
	_ =	sdelay $0x1  }
0x8a: {  	s1 =	srdreg.scid  }
0x8b: {  	s0 =	sand.u32 $0x1, s1  }
0x8c: {  	s17 =	sshll.u32 s0, $0xA;
	s2 =	sadd.s32 s3, s2  }
0x8d: {  	s2 =	sadd.s32 s2, s17  }
0x8e: {  	[smem:$0x3FC6] =	sst s2  }
0x8f: {  	_ = 	snop  }
0x90: {  	s2 =	sld [smem:$0x3FC9]  }
0x91: {  	s18 =	sld [smem:$0x3FD0];
	(tm) =	ssettm $0x1  }
0x92: {  	s4 =	sld [smem:$0x3FFB];
	_ =	sdelay $0x3  }
0x93: {  	_ =	strace s4  }
0x94: {  	s4 =	sld [smem:$0x3FFC];
	_ =	sdelay $0x3  }
0x95: {  	_ =	strace s4  }
0x96: {  	s4 =	sld [smem:$0x3FFD];
	_ =	sdelay $0x3  }
0x97: {  	_ =	strace s4  }
0x98: {  	_ =	strace $0x8FFFFFFF  }
0x99: {  	s19 =	sld [smem:$0x3FDB];
	_ =	sdelay $0x1  }
0x9a: {  	s5 =	simm.s32 $_scs_section_size  }
0x9b: {  	s6 =	simm.s32 $_size__tile_overlayer_lowered;
	s7 =	simm.s32 $_tile_overlayer_lowered  }
0x9c: {  	s22 =	simm.s32 $0x1BFF;
	s21 =	sshll.u32 s7, $0x1;
	s4 =	sadd.s32 s5, s19  }
0x9d: {  	s8 =	simm.s32 $0x0;
	s20 =	sshll.u32 s6, $0x1;
	s6 =	sadd.s32 s21, s4  }
0x9e: {  	[timem:s8], [sflag:s22] =	dma.local [hbm:s6], s20  }
0x9f: {  	_ =	swait.ge [sflag:s22], s20  }
0xa0: {  	s5 =	ssub.s32 $0x0, s20;
	[sflag:s22] =	ssyncset.done $0x0  }
0xa1: {  	[sflag:s22] =	ssyncadd.s32 s5;
	_ =	sdelay $0x1  }
0xa2: {  	s23 =	simm.s32 $0x1B8B  }
0xa3: {  	_ =	swait.ge [sflag:s23], $0x1  }
0xa4: {  	[sflag:s23] =	ssyncset.done $0x0  }
0xa5: {  	s25 =	simm.s32 $0x1B8E;
	s24 =	sld [smem:$0x3FFE];
	[sflag:s23] =	ssyncadd.s32 $0xFFFFFFFF  }
0xa6: {  	s26 =	simm.s32 $execute0_lowered;
	[smem:$0x3FD2] =	sst s25  }
0xa7: {  	s6 =	sshll.u32 s26, $0x1;
	_ =	strace $0x80000046;
	[dreg:$0x1] =	wrdreg $0xFFFFFFFF  }
0xa8: {  	s28 =	simm.s32 $_size_execute0_lowered;
	s4 =	sadd.s32 s4, s6;
	[dreg:$0x0] =	wrdreg $0x0  }
0xa9: {  	s6 =	sshll.u32 s28, $0x1;
	[dreg:$0x2] =	wrdreg s4  }
0xaa: {  	[dreg:$0x3] =	wrdreg s6  }
0xab: {  	[dreg:$0x4] =	wrdreg $0xC0  }
0xac: {  	_ =	task [dreg:s8], $0x5FFFF  }
0xad: {  	[dreg:$0x1] =	wrdreg $0xFFFFFFFF  }
0xae: {  	[dreg:$0x0] =	wrdreg $0x60  }
0xaf: {  	[dreg:$0x2] =	wrdreg s2  }
0xb0: {  	[dreg:$0x3] =	wrdreg s24  }
0xb1: {  	[dreg:$0x4] =	wrdreg s18  }
0xb2: {  	[dreg:$0x5] =	wrdreg $0x9  }
0xb3: {  	_ =	task.clear_ibuf [dreg:s8], $0x6FFFF;
	_ =	strace $0x90000046  }
0xb4: {  	s29 =	simm.s32 $0x9;
	_ =	strace $0x80000048  }
0xb5: {  	_ =	swait.ge [sflag:s29], $0x1  }
0xb6: {  	[sflag:s29] =	ssyncadd.s32 $0xFFFFFFFF  }
0xb7: {  	_ =	strace $0x90000048  }
0xb8: {  	_ =	sfence  }
0xb9: {  	s30 =	sld [smem:$0x0];
	_ =	sdelay $0x2  }
0xba: {  	s31 =	sshll.u32 s1, $0xD;
	s1 =	sshrl.u32 s1, $0x2  }
0xbb: {  	s3 =	sand.u32 $0x4000, s31;
	s1 =	sadd.s32 s1, s30  }
0xbc: {  	s0 =	sor.u32 s3, s0;
	s1 =	sshll.u32 s1, $0x11  }
0xbd: {  	s0 =	sor.u32 s1, s0  }
0xbe: {  	s0 =	sadd.s32 $0x8F2B, s0  }
0xbf: {  	[sflag:s0] =	ssyncadd.remote.s32 $0x1  }
0xc0: {  	_ =	sfence.sel $0xFFFF  }
0xc1: {  	[dreg:$0x0] =	wrdreg $0xFFFFFFFF;
	(pc) =	sbr.abs _section_cstart, $3  }
0xc2: {  	[dreg:$0x1] =	wrdreg $0xFFFFFFFF  }
0xc3: {  	_ =	task.clear_ibuf [dreg:s8], $0x2FFFF;
	_ =	strace $0x9FFFFFFF  }
0xc4: {  	(tm) =	ssettm $0x7FFFFFFF  }
0xc5: {  	_ =	shalt  }
tec
execute0_lowered:
.L_overlay_start_1:
0x0: {  	(tag) =	ssettag $0x1  }
0x1: {  	s4 =	rddreg [dreg:$0x0]  }
0x2: {  	s3 =	rddreg [dreg:$0x1]  }
0x3: {  	s1 =	srdreg.scid;
	s0 =	stileid.u32  }
0x4: {  	s5 =	rddreg [dreg:$0x2];
	s2 =	simm.s32 $0x0;
	s10 =	simm.s32 $0xC800  }
0x5: {  	s11 =	simm.s32 $0x60;
	s12 =	simm.s32 $0x6468;
	s13 =	simm.s32 $0xFC00  }
0x6: {  	s14 =	simm.s32 $0xE200;
	s15 =	simm.s32 $0x11400;
	s16 =	simm.s32 $0x1  }
0x7: {  	s17 =	simm.s32 $0x2;
	s18 =	simm.s32 $0x12C00;
	s19 =	simm.s32 $0x0  }
0x8: {  	s6 =	sand.u32 $0x1, s1;
	s7 =	sshll.u32 s0, $0x1;
	s1 =	rddreg [dreg:$0x3]  }
0x9: {  	[smem:$0x7FF] =	sst s2;
	s7 =	sor.u32 s6, s7;
	s6 =	ssub.s32 $0x2, s6  }
0xa: {  	s3 =	sadd.s32 $0xF80400, s3;
	_ =	strace $0x80000047;
	s9 =	sshrl.u32 s6, $0x1  }
0xb: {  	s8 =	smul.u32 $0xC80, s7;
	s7 =	sshll.u32 s7, $0xA;
	s6 =	ssub.s32 s6, s9  }
0xc: {  	s5 =	sadd.s32 s5, s7;
	s7 =	simm.s32 $0x3;
	s9 =	simm.s32 $0x6400  }
0xd: {  	s4 =	sadd.s32 s4, s8;
	s6 =	smax.u32 s6, $0x1;
	s8 =	simm.s32 $0x68  }
.LBB2_1:
0xe: {  	[tilespmem:s2], [sflag:$0x3] =	stream.linear.gather [hbm4b:s4+s2], $0x6400, $0x38;
	[tilespmem:$0x14C00] =	vst v63  }
0xf: {  	_ =	swait.ge [sflag:s7], $0x6400  }
0x10: {  	[sflag:s7] =	ssyncset.done $0x0  }
0x11: {  	s20 =	simm.s32 $0x0;
	[sflag:s7] =	ssyncadd.s32 $0xFFFF9C00  }
0x12: {  	v0 =	vld [tilespmem:s20+$0x0];
	_ =	sdelay $0x2  }
0x13: {  	s21 =	simm.s32 $0x40  }
.LBB2_2:
0x14: {  	p0 =	sne.s32 s21, $0x18FC0  }
.Ltmp0:
0x15: {  	s22 =	sshra.s32 s21, $0x2;
	s21 =	sadd.s32 $0x40, s21;
	v1 =	vshll.u32 v0, $0x1;
	(pc) =	sbr.rel @p0 .LBB2_2-.Ltmp0, $4  }
0x16: {  	v2 =	vand.u32 $0xFFFF8000, v0;
	v3 =	vshrl.u32 v0, $0xE;
	v1 =	vand.u32 $0x7FFE, v1;
	v0 =	vld [tilespmem:s22+$0x0]  }
0x17: {  	v1 =	vor.u32 v2, v1;
	v2 =	vand.u32 $0x1, v3  }
0x18: {  	v1 =	vor.u32 v2, v1  }
0x19: {  	[tilespmem:s20+$0x6400] =	vst v1;
	s20 =	smov.u32 s22  }
0x1a: {  	_ = 	snop  }
0x1b: {  	v1 =	vshll.u32 v0, $0x1  }
0x1c: {  	v2 =	vand.u32 $0xFFFF8000, v0;
	v63 =	vshrl.u32 v0, $0xE;
	v1 =	vand.u32 $0x7FFE, v1  }
0x1d: {  	v0 =	vand.u32 $0x1, v63;
	v1 =	vor.u32 v2, v1  }
0x1e: {  	v0 =	vor.u32 v0, v1  }
0x1f: {  	[tilespmem:s20+$0x6400] =	vst v0  }
0x20: {  	[tilespmem:s10], [sflag:$0x1] =	stream.indirect.gather [hbm4b:s3+s8], $0x40, s9, s8, $0xb8;
	[tilespmem:$0x14C00] =	vst v63  }
0x21: {  	s20 =	simm.s32 $0x0  }
0x22: {  	[tilespmem:s13], [sflag:$0x1] =	stream.indirect.gather [hbm4b:s3+s11], $0x40, s12, s11, $0xb8;
	[tilespmem:$0x14C00] =	vst v63  }
.LBB2_4:
0x23: {  	s21 =	sshllo.u32 s20, $0x1  }
0x24: {  	s22 =	smul.u32 $0x320, s21;
	_ =	sdelay $0x1  }
0x25: {  	s22 =	sshra.s32 s22, $0x2  }
0x26: {  	s23 =	sadd.s32 $0x6400, s22  }
0x27: {  	[tilespmem:s14], [sflag:$0x2] =	stream.indirect.gather [hbm4b:s3+s8], $0x40, s23, s8, $0xb8;
	[tilespmem:$0x14C00] =	vst v63  }
0x28: {  	s22 =	sadd.s32 $0x6468, s22  }
0x29: {  	[tilespmem:s15], [sflag:$0x2] =	stream.indirect.gather [hbm4b:s3+s11], $0x40, s22, s11, $0xb8;
	[tilespmem:$0x14C00] =	vst v63  }
0x2a: {  	_ =	swait.ge [sflag:s16], $0x1A00  }
0x2b: {  	[sflag:s16] =	ssyncset.done $0x0  }
0x2c: {  	[sflag:s16] =	ssyncadd.s32 $0xFFFFE600  }
0x2d: {  	_ =	swait.ge [sflag:s16], $0x1800  }
0x2e: {  	[sflag:s16] =	ssyncset.done $0x0  }
0x2f: {  	s22 =	simm.s32 $0x0;
	[sflag:s16] =	ssyncadd.s32 $0xFFFFE800  }
0x30: {  	v0 =	vld [tilespmem:s22+$0xFCC0]  }
0x31: {  	v1 =	vld [tilespmem:s22+$0xFCD0]  }
0x32: {  	v2 =	vld [tilespmem:s22+$0xC8C0]  }
0x33: {  	v3 =	vld [tilespmem:s22+$0xC8D0]  }
0x34: {  	v4 =	vld [tilespmem:s22+$0xFC80]  }
0x35: {  	v5 =	vld [tilespmem:s22+$0xFC90]  }
0x36: {  	v6 =	vld [tilespmem:s22+$0xC880]  }
0x37: {  	v7 =	vld [tilespmem:s22+$0xC890]  }
0x38: {  	v9 =	vld [tilespmem:s22+$0xFC40]  }
0x39: {  	v8 =	vld [tilespmem:s22+$0xFC50]  }
0x3a: {  	v11 =	vld [tilespmem:s22+$0xC840]  }
0x3b: {  	v10 =	vld [tilespmem:s22+$0xC850]  }
0x3c: {  	v17 =	vld [tilespmem:s22+$0xFC00]  }
0x3d: {  	v16 =	vld [tilespmem:s22+$0xFC10]  }
0x3e: {  	v19 =	vld [tilespmem:s22+$0xC800]  }
0x3f: {  	v13 =	vimm.f32 $0.0e+00;
	v20 =	vld [tilespmem:s22+$0xC810]  }
0x40: {  	v15 =	vimm.f32 $0.0e+00;
	v14 =	vimm.f32 $0.0e+00;
	v12 =	vimm.f32 $0.0e+00;
	s23 =	simm.s32 $0x400;
	v18 =	vld [tilespmem:s22+$0xC820]  }
.LBB2_5:
0x41: {  	p0 =	sne.s32 s23, $0x5C00;
	v21 =	vld [tilespmem:s22+$0xC830]  }
0x42: {  	v22 =	vld [tilespmem:s22+$0xFC20]  }
0x43: {  	v23 =	vld [tilespmem:s22+$0xFC30]  }
0x44: {  	v24 =	vld [tilespmem:s22+$0xC860]  }
0x45: {  	v13 =	vadd.f32 v19, v13;
	v15 =	vadd.f32 v20, v15;
	v19 =	vld [tilespmem:s22+$0xC870]  }
0x46: {  	v14 =	vadd.f32 v18, v14;
	v12 =	vadd.f32 v21, v12;
	v18 =	vld [tilespmem:s22+$0xFC60]  }
0x47: {  	v13 =	vadd.f32 v17, v13;
	v15 =	vadd.f32 v16, v15;
	v16 =	vld [tilespmem:s22+$0xFC70]  }
0x48: {  	v14 =	vadd.f32 v22, v14;
	v12 =	vadd.f32 v23, v12;
	v17 =	vld [tilespmem:s22+$0xC8A0]  }
0x49: {  	v11 =	vadd.f32 v11, v13;
	v10 =	vadd.f32 v10, v15;
	v13 =	vld [tilespmem:s22+$0xC8B0]  }
0x4a: {  	v14 =	vadd.f32 v24, v14;
	v12 =	vadd.f32 v19, v12;
	v15 =	vld [tilespmem:s22+$0xFCA0]  }
0x4b: {  	v9 =	vadd.f32 v9, v11;
	v8 =	vadd.f32 v8, v10;
	v10 =	vld [tilespmem:s22+$0xFCB0]  }
0x4c: {  	v11 =	vadd.f32 v18, v14;
	v12 =	vadd.f32 v16, v12;
	v14 =	vld [tilespmem:s22+$0xC8E0]  }
0x4d: {  	v6 =	vadd.f32 v6, v9;
	v7 =	vadd.f32 v7, v8;
	v8 =	vld [tilespmem:s22+$0xC8F0]  }
0x4e: {  	v9 =	vadd.f32 v17, v11;
	v11 =	vadd.f32 v13, v12;
	v12 =	vld [tilespmem:s22+$0xFCE0]  }
0x4f: {  	v4 =	vadd.f32 v4, v6;
	v5 =	vadd.f32 v5, v7;
	v6 =	vld [tilespmem:s22+$0xFCF0];
	s22 =	sshra.s32 s23, $0x2  }
0x50: {  	v9 =	vadd.f32 v15, v9;
	v7 =	vld [tilespmem:s22+$0xFCC0];
	v10 =	vadd.f32 v10, v11  }
0x51: {  	v4 =	vadd.f32 v2, v4;
	v5 =	vadd.f32 v3, v5;
	v11 =	vld [tilespmem:s22+$0xFCD0]  }
0x52: {  	v9 =	vadd.f32 v14, v9;
	v2 =	vld [tilespmem:s22+$0xC8C0];
	v8 =	vadd.f32 v8, v10  }
0x53: {  	v13 =	vadd.f32 v0, v4;
	v15 =	vadd.f32 v1, v5;
	v3 =	vld [tilespmem:s22+$0xC8D0]  }
0x54: {  	v14 =	vadd.f32 v12, v9;
	v4 =	vld [tilespmem:s22+$0xFC80];
	v12 =	vadd.f32 v6, v8  }
0x55: {  	v5 =	vld [tilespmem:s22+$0xFC90];
	v0 =	vmov v7  }
0x56: {  	v6 =	vld [tilespmem:s22+$0xC880];
	v1 =	vmov v11  }
0x57: {  	v7 =	vld [tilespmem:s22+$0xC890]  }
0x58: {  	v9 =	vld [tilespmem:s22+$0xFC40]  }
0x59: {  	v8 =	vld [tilespmem:s22+$0xFC50]  }
0x5a: {  	v11 =	vld [tilespmem:s22+$0xC840]  }
0x5b: {  	v10 =	vld [tilespmem:s22+$0xC850]  }
.Ltmp1:
0x5c: {  	v17 =	vld [tilespmem:s22+$0xFC00];
	(pc) =	sbr.rel @p0 .LBB2_5-.Ltmp1, $4  }
0x5d: {  	v16 =	vld [tilespmem:s22+$0xFC10]  }
0x5e: {  	v19 =	vld [tilespmem:s22+$0xC800]  }
0x5f: {  	v20 =	vld [tilespmem:s22+$0xC810]  }
0x60: {  	s23 =	sadd.s32 $0x400, s23;
	v18 =	vld [tilespmem:s22+$0xC820]  }
0x61: {  	v21 =	vld [tilespmem:s22+$0xC830]  }
0x62: {  	v22 =	vld [tilespmem:s22+$0xFC20]  }
0x63: {  	v23 =	vld [tilespmem:s22+$0xFC30]  }
0x64: {  	v24 =	vld [tilespmem:s22+$0xC860]  }
0x65: {  	v25 =	vld [tilespmem:s22+$0xC870]  }
0x66: {  	v26 =	vld [tilespmem:s22+$0xFC60]  }
0x67: {  	v27 =	vld [tilespmem:s22+$0xFC70]  }
0x68: {  	v28 =	vld [tilespmem:s22+$0xC8A0]  }
0x69: {  	v29 =	vld [tilespmem:s22+$0xC8B0]  }
0x6a: {  	v30 =	vld [tilespmem:s22+$0xFCA0]  }
0x6b: {  	v31 =	vld [tilespmem:s22+$0xFCB0]  }
0x6c: {  	v32 =	vld [tilespmem:s22+$0xC8E0]  }
0x6d: {  	v33 =	vld [tilespmem:s22+$0xC8F0]  }
0x6e: {  	v34 =	vld [tilespmem:s22+$0xFCE0]  }
0x6f: {  	v35 =	vld [tilespmem:s22+$0xFCF0]  }
0x70: {  	v36 =	vld [tilespmem:$0xE000]  }
0x71: {  	v37 =	vld [tilespmem:$0xE010]  }
0x72: {  	v38 =	vld [tilespmem:$0xE020]  }
0x73: {  	v13 =	vadd.f32 v19, v13;
	v19 =	vld [tilespmem:$0xE030]  }
0x74: {  	v15 =	vadd.f32 v20, v15;
	v20 =	vld [tilespmem:$0xE040]  }
0x75: {  	v14 =	vadd.f32 v18, v14;
	v13 =	vadd.f32 v17, v13;
	v17 =	vld [tilespmem:$0xE050]  }
0x76: {  	v18 =	vld [tilespmem:$0xE130];
	v12 =	vadd.f32 v21, v12;
	v15 =	vadd.f32 v16, v15  }
0x77: {  	v16 =	vld [tilespmem:$0xE060];
	v14 =	vadd.f32 v22, v14;
	v11 =	vadd.f32 v11, v13  }
0x78: {  	v21 =	vld [tilespmem:$0xE140];
	v12 =	vadd.f32 v23, v12;
	v10 =	vadd.f32 v10, v15  }
0x79: {  	v13 =	vld [tilespmem:$0xE070];
	v14 =	vadd.f32 v24, v14;
	v9 =	vadd.f32 v9, v11  }
0x7a: {  	v15 =	vld [tilespmem:$0xE080];
	v12 =	vadd.f32 v25, v12;
	v8 =	vadd.f32 v8, v10  }
0x7b: {  	v11 =	vld [tilespmem:$0xE090];
	v14 =	vadd.f32 v26, v14;
	v6 =	vadd.f32 v6, v9  }
0x7c: {  	v10 =	vld [tilespmem:$0xE0A0];
	v12 =	vadd.f32 v27, v12;
	v7 =	vadd.f32 v7, v8  }
0x7d: {  	v9 =	vld [tilespmem:$0xE0B0];
	v14 =	vadd.f32 v28, v14;
	v4 =	vadd.f32 v4, v6  }
0x7e: {  	v8 =	vld [tilespmem:$0xE0C0];
	v12 =	vadd.f32 v29, v12;
	v5 =	vadd.f32 v5, v7  }
0x7f: {  	v6 =	vld [tilespmem:$0xE0D0];
	v14 =	vadd.f32 v30, v14;
	v2 =	vadd.f32 v2, v4  }
0x80: {  	v7 =	vld [tilespmem:$0xE0E0];
	v12 =	vadd.f32 v31, v12;
	v3 =	vadd.f32 v3, v5  }
0x81: {  	v4 =	vld [tilespmem:$0xE0F0];
	v14 =	vadd.f32 v32, v14;
	v0 =	vadd.f32 v0, v2  }
0x82: {  	v5 =	vld [tilespmem:$0xE100];
	v12 =	vadd.f32 v33, v12;
	v1 =	vadd.f32 v1, v3  }
0x83: {  	v2 =	vld [tilespmem:$0xE110];
	v14 =	vadd.f32 v34, v14;
	v0 =	vadd.f32 v36, v0  }
0x84: {  	v3 =	vld [tilespmem:$0xE120];
	v12 =	vadd.f32 v35, v12;
	v1 =	vadd.f32 v37, v1  }
0x85: {  	v14 =	vadd.f32 v38, v14;
	v0 =	vadd.f32 v20, v0;
	v20 =	vld [tilespmem:$0xE150]  }
0x86: {  	v12 =	vadd.f32 v19, v12;
	v1 =	vadd.f32 v17, v1;
	v17 =	vld [tilespmem:$0xE160]  }
0x87: {  	v14 =	vadd.f32 v16, v14;
	v0 =	vadd.f32 v15, v0;
	v15 =	vld [tilespmem:$0xE170]  }
0x88: {  	v12 =	vadd.f32 v13, v12;
	v1 =	vadd.f32 v11, v1;
	v11 =	vld [tilespmem:$0xE180]  }
0x89: {  	v10 =	vadd.f32 v10, v14;
	v0 =	vadd.f32 v8, v0;
	v8 =	vld [tilespmem:$0xE190]  }
0x8a: {  	v9 =	vadd.f32 v9, v12;
	v1 =	vadd.f32 v6, v1;
	v6 =	vld [tilespmem:$0xE1A0]  }
0x8b: {  	v7 =	vadd.f32 v7, v10;
	v0 =	vadd.f32 v5, v0;
	v5 =	vld [tilespmem:$0xE1B0]  }
0x8c: {  	v4 =	vadd.f32 v4, v9;
	v1 =	vadd.f32 v2, v1;
	v2 =	vld [tilespmem:$0xE1C0]  }
0x8d: {  	v3 =	vadd.f32 v3, v7;
	v0 =	vadd.f32 v21, v0;
	v7 =	vld [tilespmem:$0xE1D0]  }
0x8e: {  	v9 =	vld [tilespmem:$0xE1E0];
	v4 =	vadd.f32 v18, v4;
	v1 =	vadd.f32 v20, v1  }
0x8f: {  	v10 =	vld [tilespmem:$0xE1F0];
	v3 =	vadd.f32 v17, v3;
	v0 =	vadd.f32 v11, v0  }
0x90: {  	v4 =	vadd.f32 v15, v4;
	v1 =	vadd.f32 v8, v1  }
0x91: {  	s31 =	sshll.u32 s20, $0x7;
	v3 =	vadd.f32 v6, v3;
	v0 =	vadd.f32 v2, v0  }
0x92: {  	p0 =	seq.s32 s20, $0x3F;
	s22 =	sand.u32 $0x3FFFFF80, s31;
	v2 =	vadd.f32 v5, v4;
	v1 =	vadd.f32 v7, v1  }
0x93: {  	s23 =	smul.u32 @!p0 $0x640, s20;
	v3 =	vadd.f32 v9, v3;
	[tilespmem:s22+$0x12C00] =	vst v0  }
0x94: {  	v0 =	vadd.f32 v10, v2;
	[tilespmem:s22+$0x12C10] =	vst v1  }
0x95: {  	s23 =	sshra.s32 @!p0 s23, $0x2;
	[tilespmem:s22+$0x12C20] =	vst v3  }
0x96: {  	s24 =	simm.s32 @!p0 $0x68;
	s25 =	simm.s32 @!p0 $0xC800;
	[tilespmem:s22+$0x12C30] =	vst v0;
	s22 =	sadd.s32 @!p0 $0x6590, s23  }
0x97: {  	[tilespmem:s25], [sflag:$0x1] =	stream.indirect.gather @!p0 [hbm4b:s3+s24], $0x40, s22, s24, $0xb8;
	[tilespmem:$0x14C00] =	vst v63  }
0x98: {  	s22 =	sadd.s32 @!p0 $0x65F8, s23;
	s23 =	simm.s32 @!p0 $0x60;
	s24 =	simm.s32 @!p0 $0xFC00  }
0x99: {  	[tilespmem:s24], [sflag:$0x1] =	stream.indirect.gather @!p0 [hbm4b:s3+s23], $0x40, s22, s23, $0xb8;
	[tilespmem:$0x14C00] =	vst v63  }
0x9a: {  	_ =	swait.ge [sflag:s17], $0x1A00  }
0x9b: {  	[sflag:s17] =	ssyncset.done $0x0  }
0x9c: {  	[sflag:s17] =	ssyncadd.s32 $0xFFFFE600  }
0x9d: {  	_ =	swait.ge [sflag:s17], $0x1800  }
0x9e: {  	[sflag:s17] =	ssyncset.done $0x0  }
0x9f: {  	s22 =	simm.s32 $0x0;
	[sflag:s17] =	ssyncadd.s32 $0xFFFFE800  }
0xa0: {  	v0 =	vld [tilespmem:s22+$0x114C0]  }
0xa1: {  	v1 =	vld [tilespmem:s22+$0x114D0]  }
0xa2: {  	v2 =	vld [tilespmem:s22+$0xE2C0]  }
0xa3: {  	v3 =	vld [tilespmem:s22+$0xE2D0]  }
0xa4: {  	v4 =	vld [tilespmem:s22+$0x11480]  }
0xa5: {  	v5 =	vld [tilespmem:s22+$0x11490]  }
0xa6: {  	v6 =	vld [tilespmem:s22+$0xE280]  }
0xa7: {  	v7 =	vld [tilespmem:s22+$0xE290]  }
0xa8: {  	v9 =	vld [tilespmem:s22+$0x11440]  }
0xa9: {  	v8 =	vld [tilespmem:s22+$0x11450]  }
0xaa: {  	v11 =	vld [tilespmem:s22+$0xE240]  }
0xab: {  	v10 =	vld [tilespmem:s22+$0xE250]  }
0xac: {  	v17 =	vld [tilespmem:s22+$0x11400]  }
0xad: {  	v16 =	vld [tilespmem:s22+$0x11410]  }
0xae: {  	v19 =	vld [tilespmem:s22+$0xE200]  }
0xaf: {  	v13 =	vimm.f32 $0.0e+00;
	v20 =	vld [tilespmem:s22+$0xE210]  }
0xb0: {  	v14 =	vimm.f32 $0.0e+00;
	v12 =	vimm.f32 $0.0e+00;
	v15 =	vimm.f32 $0.0e+00;
	s23 =	simm.s32 $0x400;
	v18 =	vld [tilespmem:s22+$0xE220]  }
.LBB2_7:
0xb1: {  	p0 =	sne.s32 s23, $0x5C00;
	v21 =	vld [tilespmem:s22+$0xE230]  }
0xb2: {  	v22 =	vld [tilespmem:s22+$0x11420]  }
0xb3: {  	v23 =	vld [tilespmem:s22+$0x11430]  }
0xb4: {  	v24 =	vld [tilespmem:s22+$0xE260]  }
0xb5: {  	v13 =	vadd.f32 v19, v13;
	v15 =	vadd.f32 v20, v15;
	v19 =	vld [tilespmem:s22+$0xE270]  }
0xb6: {  	v14 =	vadd.f32 v18, v14;
	v12 =	vadd.f32 v21, v12;
	v18 =	vld [tilespmem:s22+$0x11460]  }
0xb7: {  	v13 =	vadd.f32 v17, v13;
	v15 =	vadd.f32 v16, v15;
	v16 =	vld [tilespmem:s22+$0x11470]  }
0xb8: {  	v14 =	vadd.f32 v22, v14;
	v12 =	vadd.f32 v23, v12;
	v17 =	vld [tilespmem:s22+$0xE2A0]  }
0xb9: {  	v11 =	vadd.f32 v11, v13;
	v10 =	vadd.f32 v10, v15;
	v13 =	vld [tilespmem:s22+$0xE2B0]  }
0xba: {  	v14 =	vadd.f32 v24, v14;
	v12 =	vadd.f32 v19, v12;
	v15 =	vld [tilespmem:s22+$0x114A0]  }
0xbb: {  	v9 =	vadd.f32 v9, v11;
	v8 =	vadd.f32 v8, v10;
	v10 =	vld [tilespmem:s22+$0x114B0]  }
0xbc: {  	v11 =	vadd.f32 v18, v14;
	v12 =	vadd.f32 v16, v12;
	v14 =	vld [tilespmem:s22+$0xE2E0]  }
0xbd: {  	v6 =	vadd.f32 v6, v9;
	v7 =	vadd.f32 v7, v8;
	v8 =	vld [tilespmem:s22+$0xE2F0]  }
0xbe: {  	v9 =	vadd.f32 v17, v11;
	v11 =	vadd.f32 v13, v12;
	v12 =	vld [tilespmem:s22+$0x114E0]  }
0xbf: {  	v4 =	vadd.f32 v4, v6;
	v5 =	vadd.f32 v5, v7;
	v6 =	vld [tilespmem:s22+$0x114F0];
	s22 =	sshra.s32 s23, $0x2  }
0xc0: {  	v9 =	vadd.f32 v15, v9;
	v7 =	vld [tilespmem:s22+$0x114C0];
	v10 =	vadd.f32 v10, v11  }
0xc1: {  	v4 =	vadd.f32 v2, v4;
	v5 =	vadd.f32 v3, v5;
	v11 =	vld [tilespmem:s22+$0x114D0]  }
0xc2: {  	v9 =	vadd.f32 v14, v9;
	v2 =	vld [tilespmem:s22+$0xE2C0];
	v8 =	vadd.f32 v8, v10  }
0xc3: {  	v13 =	vadd.f32 v0, v4;
	v15 =	vadd.f32 v1, v5;
	v3 =	vld [tilespmem:s22+$0xE2D0]  }
0xc4: {  	v14 =	vadd.f32 v12, v9;
	v4 =	vld [tilespmem:s22+$0x11480];
	v12 =	vadd.f32 v6, v8  }
0xc5: {  	v5 =	vld [tilespmem:s22+$0x11490];
	v0 =	vmov v7  }
0xc6: {  	v6 =	vld [tilespmem:s22+$0xE280];
	v1 =	vmov v11  }
0xc7: {  	v7 =	vld [tilespmem:s22+$0xE290]  }
0xc8: {  	v9 =	vld [tilespmem:s22+$0x11440]  }
0xc9: {  	v8 =	vld [tilespmem:s22+$0x11450]  }
0xca: {  	v11 =	vld [tilespmem:s22+$0xE240]  }
0xcb: {  	v10 =	vld [tilespmem:s22+$0xE250]  }
.Ltmp2:
0xcc: {  	v17 =	vld [tilespmem:s22+$0x11400];
	(pc) =	sbr.rel @p0 .LBB2_7-.Ltmp2, $4  }
0xcd: {  	v16 =	vld [tilespmem:s22+$0x11410]  }
0xce: {  	v19 =	vld [tilespmem:s22+$0xE200]  }
0xcf: {  	v20 =	vld [tilespmem:s22+$0xE210]  }
0xd0: {  	s23 =	sadd.s32 $0x400, s23;
	v18 =	vld [tilespmem:s22+$0xE220]  }
0xd1: {  	v21 =	vld [tilespmem:s22+$0xE230]  }
0xd2: {  	v22 =	vld [tilespmem:s22+$0x11420]  }
0xd3: {  	v23 =	vld [tilespmem:s22+$0x11430]  }
0xd4: {  	v24 =	vld [tilespmem:s22+$0xE260]  }
0xd5: {  	v25 =	vld [tilespmem:s22+$0xE270]  }
0xd6: {  	v26 =	vld [tilespmem:s22+$0x11460]  }
0xd7: {  	v27 =	vld [tilespmem:s22+$0x11470]  }
0xd8: {  	v28 =	vld [tilespmem:s22+$0xE2A0]  }
0xd9: {  	v29 =	vld [tilespmem:s22+$0xE2B0]  }
0xda: {  	v30 =	vld [tilespmem:s22+$0x114A0]  }
0xdb: {  	v31 =	vld [tilespmem:s22+$0x114B0]  }
0xdc: {  	v32 =	vld [tilespmem:s22+$0xE2E0]  }
0xdd: {  	v33 =	vld [tilespmem:s22+$0xE2F0]  }
0xde: {  	v34 =	vld [tilespmem:s22+$0x114E0]  }
0xdf: {  	v35 =	vld [tilespmem:s22+$0x114F0]  }
0xe0: {  	v36 =	vld [tilespmem:$0xFA00]  }
0xe1: {  	v37 =	vld [tilespmem:$0xFA10]  }
0xe2: {  	v38 =	vld [tilespmem:$0xFA20]  }
0xe3: {  	v58 =	vld [tilespmem:$0xFA30];
	v13 =	vadd.f32 v19, v13  }
0xe4: {  	v59 =	vld [tilespmem:$0xFA40];
	v15 =	vadd.f32 v20, v15  }
0xe5: {  	v60 =	vld [tilespmem:$0xFA50];
	v14 =	vadd.f32 v18, v14;
	v13 =	vadd.f32 v17, v13  }
0xe6: {  	v61 =	vld [tilespmem:$0xFA60];
	v12 =	vadd.f32 v21, v12;
	v15 =	vadd.f32 v16, v15  }
0xe7: {  	v62 =	vld [tilespmem:$0xFA70];
	v14 =	vadd.f32 v22, v14;
	v11 =	vadd.f32 v11, v13  }
0xe8: {  	v63 =	vld [tilespmem:$0xFA80];
	v12 =	vadd.f32 v23, v12;
	v10 =	vadd.f32 v10, v15  }
0xe9: {  	v39 =	vld [tilespmem:$0xFA90];
	v14 =	vadd.f32 v24, v14;
	v9 =	vadd.f32 v9, v11  }
0xea: {  	v40 =	vld [tilespmem:$0xFAA0];
	v12 =	vadd.f32 v25, v12;
	v8 =	vadd.f32 v8, v10  }
0xeb: {  	v41 =	vld [tilespmem:$0xFAB0];
	v14 =	vadd.f32 v26, v14;
	v6 =	vadd.f32 v6, v9  }
0xec: {  	v42 =	vld [tilespmem:$0xFAC0];
	v12 =	vadd.f32 v27, v12;
	v7 =	vadd.f32 v7, v8  }
0xed: {  	v43 =	vld [tilespmem:$0xFAD0];
	v14 =	vadd.f32 v28, v14;
	v4 =	vadd.f32 v4, v6  }
0xee: {  	v44 =	vld [tilespmem:$0xFAE0];
	v12 =	vadd.f32 v29, v12;
	v5 =	vadd.f32 v5, v7  }
0xef: {  	v45 =	vld [tilespmem:$0xFAF0];
	v14 =	vadd.f32 v30, v14;
	v2 =	vadd.f32 v2, v4  }
0xf0: {  	v46 =	vld [tilespmem:$0xFB00];
	v12 =	vadd.f32 v31, v12;
	v3 =	vadd.f32 v3, v5  }
0xf1: {  	v47 =	vld [tilespmem:$0xFB10];
	v14 =	vadd.f32 v32, v14;
	v0 =	vadd.f32 v0, v2  }
0xf2: {  	v48 =	vld [tilespmem:$0xFB20];
	v12 =	vadd.f32 v33, v12;
	v1 =	vadd.f32 v1, v3  }
0xf3: {  	v49 =	vld [tilespmem:$0xFB30];
	v14 =	vadd.f32 v34, v14;
	v0 =	vadd.f32 v36, v0  }
0xf4: {  	v50 =	vld [tilespmem:$0xFB40];
	v12 =	vadd.f32 v35, v12;
	v1 =	vadd.f32 v37, v1  }
0xf5: {  	v51 =	vld [tilespmem:$0xFB50];
	v14 =	vadd.f32 v38, v14;
	v0 =	vadd.f32 v59, v0  }
0xf6: {  	v52 =	vld [tilespmem:$0xFB60];
	v12 =	vadd.f32 v58, v12;
	v1 =	vadd.f32 v60, v1  }
0xf7: {  	v53 =	vld [tilespmem:$0xFB70];
	v14 =	vadd.f32 v61, v14;
	v0 =	vadd.f32 v63, v0  }
0xf8: {  	v54 =	vld [tilespmem:$0xFB80];
	v12 =	vadd.f32 v62, v12;
	v1 =	vadd.f32 v39, v1  }
0xf9: {  	v55 =	vld [tilespmem:$0xFB90];
	v10 =	vadd.f32 v40, v14;
	v0 =	vadd.f32 v42, v0  }
0xfa: {  	v56 =	vld [tilespmem:$0xFBA0];
	v9 =	vadd.f32 v41, v12;
	v1 =	vadd.f32 v43, v1  }
0xfb: {  	v57 =	vld [tilespmem:$0xFBB0];
	v7 =	vadd.f32 v44, v10;
	v0 =	vadd.f32 v46, v0  }
0xfc: {  	v58 =	vld [tilespmem:$0xFBC0];
	v4 =	vadd.f32 v45, v9;
	v1 =	vadd.f32 v47, v1  }
0xfd: {  	v59 =	vld [tilespmem:$0xFBD0];
	v3 =	vadd.f32 v48, v7;
	v0 =	vadd.f32 v50, v0  }
0xfe: {  	v60 =	vld [tilespmem:$0xFBE0];
	v4 =	vadd.f32 v49, v4;
	v1 =	vadd.f32 v51, v1  }
0xff: {  	v61 =	vld [tilespmem:$0xFBF0];
	v3 =	vadd.f32 v52, v3;
	v0 =	vadd.f32 v54, v0  }
0x100: {  	s20 =	sadd.s32 $0x1, s20;
	v4 =	vadd.f32 v53, v4;
	v1 =	vadd.f32 v55, v1  }
0x101: {  	s21 =	sshll.u32 s21, $0x6;
	p0 =	sne.s32 s20, $0x40;
	v3 =	vadd.f32 v56, v3;
	v0 =	vadd.f32 v58, v0  }
.Ltmp3:
0x102: {  	s21 =	sand.u32 $0x3FFFFFC0, s21;
	v62 =	vadd.f32 v57, v4;
	v1 =	vadd.f32 v59, v1;
	(pc) =	sbr.rel @p0 .LBB2_4-.Ltmp3, $4  }
0x103: {  	v3 =	vadd.f32 v60, v3;
	[tilespmem:s21+$0x12C00] =	vst v0  }
0x104: {  	v63 =	vadd.f32 v61, v62;
	[tilespmem:s21+$0x12C10] =	vst v1  }
0x105: {  	[tilespmem:s21+$0x12C20] =	vst v3  }
0x106: {  	[tilespmem:s21+$0x12C30] =	vst v63  }
0x107: {  	s19 =	sadd.s32 $0x1, s19  }
0x108: {  	p0 =	sne.s32 s19, s6  }
.Ltmp4:
0x109: {  	_ = 	snop;
	(pc) =	sbr.rel @p0 .LBB2_1-.Ltmp4, $4  }
0x10a: {  	[hbm4b:s5+s2] =	stream.linear.scatter [tilespmem:s18], [sflag:$0x3], $0x2000, $0x38;
	[tilespmem:$0x14C00] =	vst v63  }
0x10b: {  	_ =	swait.ge [sflag:s7], $0x2000  }
0x10c: {  	[sflag:s7] =	ssyncset.done $0x0  }
0x10d: {  	[sflag:s7] =	ssyncadd.s32 $0xFFFFE000  }
0x10e: {  	_ =	sfence.sel $0x180000  }
0x10f: {  	[bflag:$0x0] =	sbarrier.arrive $0xFFFF  }
0x110: {  	p0 =	sne.s32 s0, $0x0;
	_ =	strace $0x90000047  }
0x111: {  	s0 =	sadd.s32 @!p0 $0x100000, s1;
	[bflag:$0x2] =	sbarrier.arrive $0xFFFF  }
0x112: {  	[sflag:s0] =	ssyncadd.tile.s32 @!p0 $0x1;
	_ =	shalt  }
.Lfunc_end2:
_tile_overlayer_lowered:
.L_overlay_start_2:
0x113: {  	(tag) =	ssettag $0x2  }
0x114: {  	s0 =	rddreg [dreg:$0x0];
	s2 =	stileid.u32  }
0x115: {  	s1 =	rddreg [dreg:$0x1];
	p0 =	sne.s32 s2, $0x0  }
0x116: {  	s3 =	rddreg [dreg:$0x2];
	[bflag:$0x3] =	sbarrier.arrive $0xFFFF;
	s2 =	simm.s32 @!p0 $0x1C03  }
0x117: {  	[timem:s3], [sflag:s2] =	dma.local @!p0 [hbm:s0], s1  }
0x118: {  	s0 =	simm.s32 @!p0 $0x3  }
0x119: {  	_ =	swait.ge @!p0 [sflag:s0], s1  }
0x11a: {  	s1 =	ssub.s32 @!p0 $0x0, s1;
	[sflag:s0] =	ssyncset.done @!p0 $0x0  }
0x11b: {  	[sflag:s0] =	ssyncadd.s32 @!p0 s1  }
0x11c: {  	[bflag:$0x3] =	sbarrier.arrive $0xFFFF  }
0x11d: {  	_ =	shalt  }

</sc_bundles>
